<compile_context>
chip_gen: v7x
topology: tpu7x:2x2x1
jax: 0.10.2.dev20260603
libtpu: 0.0.44.dev20260713+nightly
codegen_flags: <defaults>
</compile_context>

<pallas_src>
import functools

import jax
import jax.numpy as jnp
from jax import lax
from jax.experimental import pallas as pl
from jax.experimental.pallas import tpu as pltpu
from jax.experimental.pallas import tpu_sc as plsc

_C = 1000
_EPS = 1e-05
_CPAD = 1024
_NC, _NS, _L = 2, 16, 16
_BLK = 2048


def _sc_body(tgt_hbm, sw_hbm, tgt_cnt_v, ones_v, hist_v, w_v, out_v,
             shared_hist, shared_w, sem):
    cid = lax.axis_index("c")
    sid = lax.axis_index("s")
    rows_cnt = tgt_cnt_v.shape[0]
    ld = pltpu.async_copy(tgt_hbm.at[pl.ds(sid * rows_cnt, rows_cnt)],
                          tgt_cnt_v, sem)

    def _fill16(ref, val, g):
        ref[pl.ds(g * _L, _L)] = jnp.full((_L,), val, jnp.float32)

    def _ones_loop(g, carry):
        _fill16(ones_v, 1.0, g)
        return carry

    lax.fori_loop(0, ones_v.shape[0] // _L, _ones_loop, 0)

    @pl.when(sid == 0)
    def _():
        def _zero_loop(g, carry):
            _fill16(hist_v, 0.0, g)
            return carry
        lax.fori_loop(0, _CPAD // _L, _zero_loop, 0)
        pltpu.sync_copy(hist_v, shared_hist)

    ld.wait()
    plsc.subcore_barrier()
    scatters = [
        pltpu.async_copy(ones_v, shared_hist.at[tgt_cnt_v.at[j]], sem,
                         add=True)
        for j in range(rows_cnt)
    ]
    for d in scatters:
        d.wait()
    plsc.subcore_barrier()

    @pl.when(sid == 0)
    def _():
        pltpu.sync_copy(shared_hist, hist_v)

        def _wloop(g, acc):
            cvec = hist_v[pl.ds(g * _L, _L)]
            idx = g * _L + lax.iota(jnp.int32, _L)
            wv = jnp.where(idx < _C, 1.0 / (cvec + _EPS), 0.0)
            w_v[pl.ds(g * _L, _L)] = wv
            return acc + wv

        acc = lax.fori_loop(0, _CPAD // _L, _wloop,
                            jnp.zeros((_L,), jnp.float32))
        total = acc[0]
        for k in range(1, _L):
            total = total + acc[k]
        ones_v[pl.ds(0, _L)] = jnp.full((_L,), float(_C), jnp.float32) / total
        pltpu.sync_copy(w_v, shared_w)
        pltpu.sync_copy(ones_v.at[pl.ds(0, _L)], shared_hist.at[pl.ds(0, _L)])

    plsc.subcore_barrier()

    rows_out = out_v.shape[0] // 128
    obase = (sid * rows_cnt + cid * rows_out) * 128
    pltpu.sync_copy(shared_hist.at[pl.ds(0, _L)], ones_v.at[pl.ds(0, _L)])
    scale = ones_v[pl.ds(0, _L)]
    gathers = [
        pltpu.async_copy(shared_w.at[tgt_cnt_v.at[cid * rows_out + j]],
                         out_v.at[pl.ds(j * 128, 128)], sem)
        for j in range(rows_out)
    ]
    for d in gathers:
        d.wait()
    for g in range(rows_out * 8):
        col = g * _L
        out_v[pl.ds(col, _L)] = out_v[pl.ds(col, _L)] * scale
    pltpu.sync_copy(out_v,
                    sw_hbm.at[obase // _BLK, 0, pl.ds(obase % _BLK,
                                                      rows_out * 128)])


def _sample_weights(t2, grid):
    n = t2.shape[0] * t2.shape[1]
    rows_cnt = (n // 128) // _NS
    rows_out = (n // 128) // (_NC * _NS)
    mesh = plsc.VectorSubcoreMesh(core_axis_name="c", subcore_axis_name="s")
    sck = functools.partial(
        pl.kernel,
        out_type=jax.ShapeDtypeStruct((grid, 1, _BLK), jnp.float32),
        mesh=mesh,
        scratch_types=[
            pltpu.VMEM((rows_cnt, 128), jnp.int32),
            pltpu.VMEM((128,), jnp.float32),
            pltpu.VMEM((_CPAD,), jnp.float32),
            pltpu.VMEM((_CPAD,), jnp.float32),
            pltpu.VMEM((rows_out * 128,), jnp.float32),
            pltpu.VMEM_SHARED((_CPAD,), jnp.float32),
            pltpu.VMEM_SHARED((_CPAD,), jnp.float32),
            pltpu.SemaphoreType.DMA,
        ],
    )(_sc_body)
    return sck(t2)


def _tc_body(n_total, t_ref, sw_ref, x_ref, out_ref, acc_ref):
    i = pl.program_id(0)
    n = pl.num_programs(0)
    x = x_ref[...]
    t = t_ref[0, 0, :]
    sw = sw_ref[0, 0, :]
    m = jnp.max(x, axis=1, keepdims=True)
    e = jnp.exp(x - m)
    s = jnp.sum(e, axis=1)
    lse = m[:, 0] + jnp.log(s)
    cols = lax.broadcasted_iota(jnp.int32, x.shape, 1)
    picked = jnp.sum(jnp.where(cols == t[:, None], x, 0.0), axis=1)
    part = jnp.sum((lse - picked) * sw)

    @pl.when(i == 0)
    def _():
        acc_ref[0, 0] = part

    @pl.when(i > 0)
    def _():
        acc_ref[0, 0] = acc_ref[0, 0] + part

    @pl.when(i == n - 1)
    def _():
        out_ref[0, 0] = acc_ref[0, 0] / n_total


def kernel(inputs, targets):
    n_total, c = inputs.shape
    grid = n_total // _BLK
    ti = targets.astype(jnp.int32)
    t3 = ti.reshape(grid, 1, _BLK)
    sw3 = _sample_weights(ti.reshape(n_total // 128, 128), grid)
    body = functools.partial(_tc_body, float(n_total))
    out = pl.pallas_call(
        body,
        grid=(grid,),
        in_specs=[
            pl.BlockSpec((1, 1, _BLK), lambda i: (i, 0, 0)),
            pl.BlockSpec((1, 1, _BLK), lambda i: (i, 0, 0)),
            pl.BlockSpec((_BLK, c), lambda i: (i, 0)),
        ],
        out_specs=pl.BlockSpec((1, 1), lambda i: (0, 0),
                               memory_space=pltpu.SMEM),
        out_shape=jax.ShapeDtypeStruct((1, 1), jnp.float32),
        scratch_shapes=[
            pltpu.SMEM((1, 1), jnp.float32),
        ],
    )(t3, sw3, inputs)
    return out[0, 0]

# --- scband reference (transcript-rebuilt; emitter-appended) ---
"""Pipeline reference for scband-dynamic-weighted-cross-entropy-loss-22016002359566 (READ-ONLY COPY).

The authoritative reference and input builder live on the scoring server;
editing this copy changes nothing except your own understanding.
"""

import jax, jax.numpy as jnp
import numpy as np

NUM_CLASSES = 1000
SMOOTH_EPS = 1e-05


def setup_inputs(seed: int = 0) -> dict:
    key = jax.random.key(seed)
    k1, k2 = jax.random.split(key)
    inputs = jax.random.normal(k1, (16384, NUM_CLASSES), dtype=jnp.float32)
    targets = jax.random.randint(k2, (16384,), 0, NUM_CLASSES)
    return {"inputs": inputs, "targets": targets}


def reference(inputs, targets):
    # dynamic class weights from target frequency (bincount)
    class_counts = jnp.bincount(targets, length=NUM_CLASSES).astype(jnp.float32)
    class_weights = 1.0 / (class_counts + SMOOTH_EPS)
    class_weights = class_weights / class_weights.sum() * NUM_CLASSES
    # per-sample weight gather
    sample_weights = jnp.take(class_weights, targets, axis=0)
    # cross entropy with reduction='none'
    lse = jax.nn.logsumexp(inputs, axis=1)
    picked = jnp.take_along_axis(inputs, targets[:, None], axis=1)[:, 0]
    loss = lse - picked
    weighted_loss = loss * sample_weights
    return jnp.mean(weighted_loss)

if __name__ == "__main__":
    import jax
    _d = setup_inputs()
    print(jax.jit(kernel)(*tuple(_d.values())))

</pallas_src>

<mosaic_0001>
#map = affine_map<(d0, d1) -> (0, 0)>
#map1 = affine_map<(d0, d1) -> (0, 0, 0)>
module attributes {stable_mosaic.version = 14 : i64} {
  func.func @_sc_body(%arg0: i32, %arg1: i32, %arg2: memref<128x128xi32, #tpu.memory_space<hbm>>, %arg3: memref<8x1x2048xf32, #tpu.memory_space<hbm>>, %arg4: memref<8x128xi32, #tpu.memory_space<vmem>>, %arg5: memref<128xf32, #tpu.memory_space<vmem>>, %arg6: memref<1024xf32, #tpu.memory_space<vmem>>, %arg7: memref<1024xf32, #tpu.memory_space<vmem>>, %arg8: memref<512xf32, #tpu.memory_space<vmem>>, %arg9: memref<1024xf32, #tpu.memory_space<vmem_shared>>, %arg10: memref<1024xf32, #tpu.memory_space<vmem_shared>>, %arg11: memref<!tpu.dma_semaphore, #tpu.memory_space<semaphore_mem>>) attributes {dimension_semantics = [#tpu.dimension_semantics<core_parallel>, #tpu.dimension_semantics<subcore_parallel>], iteration_bounds = array<i64: 2, 16>, scalar_prefetch = 0 : i64, scratch_operands = 8 : i64, tpu.core_type = #tpu.core_type<sc_vector_subcore>, window_params = [{transform_indices = #map}, {transform_indices = #map1}]} {
    %mul3A = arith.constant 8 : i32
    %mul3A_0 = arith.muli %arg1, %mul3A : i32
    %dma_start3A = arith.constant 0 : i32
    %dma_start3A_1 = tpu.memref_slice %arg2[%mul3A_0, %dma_start3A] : memref<128x128xi32, #tpu.memory_space<hbm>> -> memref<8x128xi32, #tpu.memory_space<hbm>>
    %dma_start3A_2 = arith.constant 0 : i32
    %dma_start3A_3 = tpu.memref_slice %arg2[%mul3A_0, %dma_start3A_2] : memref<128x128xi32, #tpu.memory_space<hbm>> -> memref<8x128xi32, #tpu.memory_space<hbm>>
    tpu.enqueue_dma source(%dma_start3A_3 : memref<8x128xi32, #tpu.memory_space<hbm>>) target(%arg4 : memref<8x128xi32, #tpu.memory_space<vmem>>) target_semaphore(%arg11 : memref<!tpu.dma_semaphore, #tpu.memory_space<semaphore_mem>>)
    %scan3A = arith.constant 0 : i32
    %scan3A_4 = arith.constant 0 : i32
    %scan3A_5 = arith.constant 8 : i32
    %scan3A_6 = arith.addi %scan3A_4, %scan3A_5 : i32
    %scan3A_7 = arith.constant 1 : i32
    scf.for %scan3A_483 = %scan3A_4 to %scan3A_6 step %scan3A_7  : i32 {
      %broadcast_in_dim3A = arith.constant 1.000000e+00 : f32
      %broadcast_in_dim3A_484 = vector.broadcast %broadcast_in_dim3A : f32 to vector<16xf32>
      %mul3A_485 = arith.constant 16 : i32
      %mul3A_486 = arith.muli %scan3A_483, %mul3A_485 : i32
      %swap3A_487 = arith.index_cast %mul3A_486 : i32 to index
      %swap3A_488 = tpu.vector_load %arg5[%swap3A_487] {strides = array<i32>} : memref<128xf32, #tpu.memory_space<vmem>>, vector<16xf32>,
      %swap3A_489 = vector.shape_cast %swap3A_488 : vector<16xf32> to vector<16xf32>
      %swap3A_490 = vector.shape_cast %broadcast_in_dim3A_484 : vector<16xf32> to vector<16xf32>
      tpu.vector_store %arg5[%swap3A_487], %swap3A_490 {strides = array<i32>} : memref<128xf32, #tpu.memory_space<vmem>>, vector<16xf32>,
    }
    %scan3A_8 = arith.constant 8 : i32
    %eq3A = arith.constant 0 : i32
    %eq3A_9 = arith.cmpi eq, %arg1, %eq3A : i32
    %convert_element_type3A = arith.extui %eq3A_9 : i1 to i32
    %cond3A = arith.constant 0 : i32
    %cond3A_10 = arith.cmpi ne, %convert_element_type3A, %cond3A : i32
    scf.if %cond3A_10 {
      %scan3A_483 = arith.constant 0 : i32
      %scan3A_484 = arith.constant 0 : i32
      %scan3A_485 = arith.constant 64 : i32
      %scan3A_486 = arith.addi %scan3A_484, %scan3A_485 : i32
      %scan3A_487 = arith.constant 1 : i32
      scf.for %scan3A_489 = %scan3A_484 to %scan3A_486 step %scan3A_487  : i32 {
        %broadcast_in_dim3A = arith.constant 0.000000e+00 : f32
        %broadcast_in_dim3A_490 = vector.broadcast %broadcast_in_dim3A : f32 to vector<16xf32>
        %mul3A_491 = arith.constant 16 : i32
        %mul3A_492 = arith.muli %scan3A_489, %mul3A_491 : i32
        %swap3A_493 = arith.index_cast %mul3A_492 : i32 to index
        %swap3A_494 = tpu.vector_load %arg6[%swap3A_493] {strides = array<i32>} : memref<1024xf32, #tpu.memory_space<vmem>>, vector<16xf32>,
        %swap3A_495 = vector.shape_cast %swap3A_494 : vector<16xf32> to vector<16xf32>
        %swap3A_496 = vector.shape_cast %broadcast_in_dim3A_490 : vector<16xf32> to vector<16xf32>
        tpu.vector_store %arg6[%swap3A_493], %swap3A_496 {strides = array<i32>} : memref<1024xf32, #tpu.memory_space<vmem>>, vector<16xf32>,
      }
      %scan3A_488 = arith.constant 64 : i32
      "tpu.region"() ({
        %run_scoped3A_489 = tpu.sem_alloc : memref<!tpu.dma_semaphore, #tpu.memory_space<semaphore_mem>>
        tpu.enqueue_dma source(%arg6 : memref<1024xf32, #tpu.memory_space<vmem>>) target(%arg9 : memref<1024xf32, #tpu.memory_space<vmem_shared>>) target_semaphore(%run_scoped3A_489 : memref<!tpu.dma_semaphore, #tpu.memory_space<semaphore_mem>>)
        tpu.wait_dma2 semaphore(%run_scoped3A_489 : memref<!tpu.dma_semaphore, #tpu.memory_space<semaphore_mem>>) src(%arg6 : memref<1024xf32, #tpu.memory_space<vmem>>) dst(%arg9 : memref<1024xf32, #tpu.memory_space<vmem_shared>>)
        tpu.yield
      }) : () -> ()
    } else {
    }
    %dma_wait3A = arith.constant 0 : i32
    %dma_wait3A_11 = tpu.memref_slice %arg2[%mul3A_0, %dma_wait3A] : memref<128x128xi32, #tpu.memory_space<hbm>> -> memref<8x128xi32, #tpu.memory_space<hbm>>
    %dma_wait3A_12 = arith.constant 0 : i32
    %dma_wait3A_13 = tpu.memref_slice %arg2[%mul3A_0, %dma_wait3A_12] : memref<128x128xi32, #tpu.memory_space<hbm>> -> memref<8x128xi32, #tpu.memory_space<hbm>>
    tpu.wait_dma2 semaphore(%arg11 : memref<!tpu.dma_semaphore, #tpu.memory_space<semaphore_mem>>) src(%dma_wait3A_13 : memref<8x128xi32, #tpu.memory_space<hbm>>) dst(%arg4 : memref<8x128xi32, #tpu.memory_space<vmem>>)
    %barrier3A = arith.constant 0 : index
    tpu.barrier barrier_id(%barrier3A)
    %dma_start3A_14 = arith.constant 0 : i32
    %dma_start3A_15 = arith.constant 0 : i32
    %dma_start3A_16 = tpu.memref_slice %arg4[%dma_start3A_14, %dma_start3A_15] : memref<8x128xi32, #tpu.memory_space<vmem>> -> memref<1x128xi32, #tpu.memory_space<vmem>>
    %dma_start3A_17 = tpu.memref_squeeze %dma_start3A_16 : memref<1x128xi32, #tpu.memory_space<vmem>> -> memref<128xi32, #tpu.memory_space<vmem>>
    %dma_start3A_18 = arith.constant 0 : i32
    %dma_start3A_19 = tpu.memref_slice %arg9[%dma_start3A_18] : memref<1024xf32, #tpu.memory_space<vmem_shared>> -> memref<1024xf32, #tpu.memory_space<vmem_shared>>
    tpu.enqueue_indirect_dma source(%arg5 : memref<128xf32, #tpu.memory_space<vmem>>) target(%dma_start3A_19 : memref<1024xf32, #tpu.memory_space<vmem_shared>>) offsets(%dma_start3A_17 : memref<128xi32, #tpu.memory_space<vmem>>) semaphore(%arg11 : memref<!tpu.dma_semaphore, #tpu.memory_space<semaphore_mem>>) {add = true}
    %dma_start3A_20 = arith.constant 1 : i32
    %dma_start3A_21 = arith.constant 0 : i32
    %dma_start3A_22 = tpu.memref_slice %arg4[%dma_start3A_20, %dma_start3A_21] : memref<8x128xi32, #tpu.memory_space<vmem>> -> memref<1x128xi32, #tpu.memory_space<vmem>>
    %dma_start3A_23 = tpu.memref_squeeze %dma_start3A_22 : memref<1x128xi32, #tpu.memory_space<vmem>> -> memref<128xi32, #tpu.memory_space<vmem>>
    %dma_start3A_24 = arith.constant 0 : i32
    %dma_start3A_25 = tpu.memref_slice %arg9[%dma_start3A_24] : memref<1024xf32, #tpu.memory_space<vmem_shared>> -> memref<1024xf32, #tpu.memory_space<vmem_shared>>
    tpu.enqueue_indirect_dma source(%arg5 : memref<128xf32, #tpu.memory_space<vmem>>) target(%dma_start3A_25 : memref<1024xf32, #tpu.memory_space<vmem_shared>>) offsets(%dma_start3A_23 : memref<128xi32, #tpu.memory_space<vmem>>) semaphore(%arg11 : memref<!tpu.dma_semaphore, #tpu.memory_space<semaphore_mem>>) {add = true}
    %dma_start3A_26 = arith.constant 2 : i32
    %dma_start3A_27 = arith.constant 0 : i32
    %dma_start3A_28 = tpu.memref_slice %arg4[%dma_start3A_26, %dma_start3A_27] : memref<8x128xi32, #tpu.memory_space<vmem>> -> memref<1x128xi32, #tpu.memory_space<vmem>>
    %dma_start3A_29 = tpu.memref_squeeze %dma_start3A_28 : memref<1x128xi32, #tpu.memory_space<vmem>> -> memref<128xi32, #tpu.memory_space<vmem>>
    %dma_start3A_30 = arith.constant 0 : i32
    %dma_start3A_31 = tpu.memref_slice %arg9[%dma_start3A_30] : memref<1024xf32, #tpu.memory_space<vmem_shared>> -> memref<1024xf32, #tpu.memory_space<vmem_shared>>
    tpu.enqueue_indirect_dma source(%arg5 : memref<128xf32, #tpu.memory_space<vmem>>) target(%dma_start3A_31 : memref<1024xf32, #tpu.memory_space<vmem_shared>>) offsets(%dma_start3A_29 : memref<128xi32, #tpu.memory_space<vmem>>) semaphore(%arg11 : memref<!tpu.dma_semaphore, #tpu.memory_space<semaphore_mem>>) {add = true}
    %dma_start3A_32 = arith.constant 3 : i32
    %dma_start3A_33 = arith.constant 0 : i32
    %dma_start3A_34 = tpu.memref_slice %arg4[%dma_start3A_32, %dma_start3A_33] : memref<8x128xi32, #tpu.memory_space<vmem>> -> memref<1x128xi32, #tpu.memory_space<vmem>>
    %dma_start3A_35 = tpu.memref_squeeze %dma_start3A_34 : memref<1x128xi32, #tpu.memory_space<vmem>> -> memref<128xi32, #tpu.memory_space<vmem>>
    %dma_start3A_36 = arith.constant 0 : i32
    %dma_start3A_37 = tpu.memref_slice %arg9[%dma_start3A_36] : memref<1024xf32, #tpu.memory_space<vmem_shared>> -> memref<1024xf32, #tpu.memory_space<vmem_shared>>
    tpu.enqueue_indirect_dma source(%arg5 : memref<128xf32, #tpu.memory_space<vmem>>) target(%dma_start3A_37 : memref<1024xf32, #tpu.memory_space<vmem_shared>>) offsets(%dma_start3A_35 : memref<128xi32, #tpu.memory_space<vmem>>) semaphore(%arg11 : memref<!tpu.dma_semaphore, #tpu.memory_space<semaphore_mem>>) {add = true}
    %dma_start3A_38 = arith.constant 4 : i32
    %dma_start3A_39 = arith.constant 0 : i32
    %dma_start3A_40 = tpu.memref_slice %arg4[%dma_start3A_38, %dma_start3A_39] : memref<8x128xi32, #tpu.memory_space<vmem>> -> memref<1x128xi32, #tpu.memory_space<vmem>>
    %dma_start3A_41 = tpu.memref_squeeze %dma_start3A_40 : memref<1x128xi32, #tpu.memory_space<vmem>> -> memref<128xi32, #tpu.memory_space<vmem>>
    %dma_start3A_42 = arith.constant 0 : i32
    %dma_start3A_43 = tpu.memref_slice %arg9[%dma_start3A_42] : memref<1024xf32, #tpu.memory_space<vmem_shared>> -> memref<1024xf32, #tpu.memory_space<vmem_shared>>
    tpu.enqueue_indirect_dma source(%arg5 : memref<128xf32, #tpu.memory_space<vmem>>) target(%dma_start3A_43 : memref<1024xf32, #tpu.memory_space<vmem_shared>>) offsets(%dma_start3A_41 : memref<128xi32, #tpu.memory_space<vmem>>) semaphore(%arg11 : memref<!tpu.dma_semaphore, #tpu.memory_space<semaphore_mem>>) {add = true}
    %dma_start3A_44 = arith.constant 5 : i32
    %dma_start3A_45 = arith.constant 0 : i32
    %dma_start3A_46 = tpu.memref_slice %arg4[%dma_start3A_44, %dma_start3A_45] : memref<8x128xi32, #tpu.memory_space<vmem>> -> memref<1x128xi32, #tpu.memory_space<vmem>>
    %dma_start3A_47 = tpu.memref_squeeze %dma_start3A_46 : memref<1x128xi32, #tpu.memory_space<vmem>> -> memref<128xi32, #tpu.memory_space<vmem>>
    %dma_start3A_48 = arith.constant 0 : i32
    %dma_start3A_49 = tpu.memref_slice %arg9[%dma_start3A_48] : memref<1024xf32, #tpu.memory_space<vmem_shared>> -> memref<1024xf32, #tpu.memory_space<vmem_shared>>
    tpu.enqueue_indirect_dma source(%arg5 : memref<128xf32, #tpu.memory_space<vmem>>) target(%dma_start3A_49 : memref<1024xf32, #tpu.memory_space<vmem_shared>>) offsets(%dma_start3A_47 : memref<128xi32, #tpu.memory_space<vmem>>) semaphore(%arg11 : memref<!tpu.dma_semaphore, #tpu.memory_space<semaphore_mem>>) {add = true}
    %dma_start3A_50 = arith.constant 6 : i32
    %dma_start3A_51 = arith.constant 0 : i32
    %dma_start3A_52 = tpu.memref_slice %arg4[%dma_start3A_50, %dma_start3A_51] : memref<8x128xi32, #tpu.memory_space<vmem>> -> memref<1x128xi32, #tpu.memory_space<vmem>>
    %dma_start3A_53 = tpu.memref_squeeze %dma_start3A_52 : memref<1x128xi32, #tpu.memory_space<vmem>> -> memref<128xi32, #tpu.memory_space<vmem>>
    %dma_start3A_54 = arith.constant 0 : i32
    %dma_start3A_55 = tpu.memref_slice %arg9[%dma_start3A_54] : memref<1024xf32, #tpu.memory_space<vmem_shared>> -> memref<1024xf32, #tpu.memory_space<vmem_shared>>
    tpu.enqueue_indirect_dma source(%arg5 : memref<128xf32, #tpu.memory_space<vmem>>) target(%dma_start3A_55 : memref<1024xf32, #tpu.memory_space<vmem_shared>>) offsets(%dma_start3A_53 : memref<128xi32, #tpu.memory_space<vmem>>) semaphore(%arg11 : memref<!tpu.dma_semaphore, #tpu.memory_space<semaphore_mem>>) {add = true}
    %dma_start3A_56 = arith.constant 7 : i32
    %dma_start3A_57 = arith.constant 0 : i32
    %dma_start3A_58 = tpu.memref_slice %arg4[%dma_start3A_56, %dma_start3A_57] : memref<8x128xi32, #tpu.memory_space<vmem>> -> memref<1x128xi32, #tpu.memory_space<vmem>>
    %dma_start3A_59 = tpu.memref_squeeze %dma_start3A_58 : memref<1x128xi32, #tpu.memory_space<vmem>> -> memref<128xi32, #tpu.memory_space<vmem>>
    %dma_start3A_60 = arith.constant 0 : i32
    %dma_start3A_61 = tpu.memref_slice %arg9[%dma_start3A_60] : memref<1024xf32, #tpu.memory_space<vmem_shared>> -> memref<1024xf32, #tpu.memory_space<vmem_shared>>
    tpu.enqueue_indirect_dma source(%arg5 : memref<128xf32, #tpu.memory_space<vmem>>) target(%dma_start3A_61 : memref<1024xf32, #tpu.memory_space<vmem_shared>>) offsets(%dma_start3A_59 : memref<128xi32, #tpu.memory_space<vmem>>) semaphore(%arg11 : memref<!tpu.dma_semaphore, #tpu.memory_space<semaphore_mem>>) {add = true}
    %dma_wait3A_62 = arith.constant 0 : i32
    %dma_wait3A_63 = arith.constant 0 : i32
    %dma_wait3A_64 = tpu.memref_slice %arg4[%dma_wait3A_62, %dma_wait3A_63] : memref<8x128xi32, #tpu.memory_space<vmem>> -> memref<1x128xi32, #tpu.memory_space<vmem>>
    %dma_wait3A_65 = tpu.memref_squeeze %dma_wait3A_64 : memref<1x128xi32, #tpu.memory_space<vmem>> -> memref<128xi32, #tpu.memory_space<vmem>>
    %dma_wait3A_66 = arith.constant 0 : i32
    %dma_wait3A_67 = tpu.memref_slice %arg9[%dma_wait3A_66] : memref<1024xf32, #tpu.memory_space<vmem_shared>> -> memref<1024xf32, #tpu.memory_space<vmem_shared>>
    tpu.wait_indirect_dma semaphore(%arg11 : memref<!tpu.dma_semaphore, #tpu.memory_space<semaphore_mem>>) src(%arg5 : memref<128xf32, #tpu.memory_space<vmem>>) dst(%dma_wait3A_67 : memref<1024xf32, #tpu.memory_space<vmem_shared>>)
    %dma_wait3A_68 = arith.constant 1 : i32
    %dma_wait3A_69 = arith.constant 0 : i32
    %dma_wait3A_70 = tpu.memref_slice %arg4[%dma_wait3A_68, %dma_wait3A_69] : memref<8x128xi32, #tpu.memory_space<vmem>> -> memref<1x128xi32, #tpu.memory_space<vmem>>
    %dma_wait3A_71 = tpu.memref_squeeze %dma_wait3A_70 : memref<1x128xi32, #tpu.memory_space<vmem>> -> memref<128xi32, #tpu.memory_space<vmem>>
    %dma_wait3A_72 = arith.constant 0 : i32
    %dma_wait3A_73 = tpu.memref_slice %arg9[%dma_wait3A_72] : memref<1024xf32, #tpu.memory_space<vmem_shared>> -> memref<1024xf32, #tpu.memory_space<vmem_shared>>
    tpu.wait_indirect_dma semaphore(%arg11 : memref<!tpu.dma_semaphore, #tpu.memory_space<semaphore_mem>>) src(%arg5 : memref<128xf32, #tpu.memory_space<vmem>>) dst(%dma_wait3A_73 : memref<1024xf32, #tpu.memory_space<vmem_shared>>)
    %dma_wait3A_74 = arith.constant 2 : i32
    %dma_wait3A_75 = arith.constant 0 : i32
    %dma_wait3A_76 = tpu.memref_slice %arg4[%dma_wait3A_74, %dma_wait3A_75] : memref<8x128xi32, #tpu.memory_space<vmem>> -> memref<1x128xi32, #tpu.memory_space<vmem>>
    %dma_wait3A_77 = tpu.memref_squeeze %dma_wait3A_76 : memref<1x128xi32, #tpu.memory_space<vmem>> -> memref<128xi32, #tpu.memory_space<vmem>>
    %dma_wait3A_78 = arith.constant 0 : i32
    %dma_wait3A_79 = tpu.memref_slice %arg9[%dma_wait3A_78] : memref<1024xf32, #tpu.memory_space<vmem_shared>> -> memref<1024xf32, #tpu.memory_space<vmem_shared>>
    tpu.wait_indirect_dma semaphore(%arg11 : memref<!tpu.dma_semaphore, #tpu.memory_space<semaphore_mem>>) src(%arg5 : memref<128xf32, #tpu.memory_space<vmem>>) dst(%dma_wait3A_79 : memref<1024xf32, #tpu.memory_space<vmem_shared>>)
    %dma_wait3A_80 = arith.constant 3 : i32
    %dma_wait3A_81 = arith.constant 0 : i32
    %dma_wait3A_82 = tpu.memref_slice %arg4[%dma_wait3A_80, %dma_wait3A_81] : memref<8x128xi32, #tpu.memory_space<vmem>> -> memref<1x128xi32, #tpu.memory_space<vmem>>
    %dma_wait3A_83 = tpu.memref_squeeze %dma_wait3A_82 : memref<1x128xi32, #tpu.memory_space<vmem>> -> memref<128xi32, #tpu.memory_space<vmem>>
    %dma_wait3A_84 = arith.constant 0 : i32
    %dma_wait3A_85 = tpu.memref_slice %arg9[%dma_wait3A_84] : memref<1024xf32, #tpu.memory_space<vmem_shared>> -> memref<1024xf32, #tpu.memory_space<vmem_shared>>
    tpu.wait_indirect_dma semaphore(%arg11 : memref<!tpu.dma_semaphore, #tpu.memory_space<semaphore_mem>>) src(%arg5 : memref<128xf32, #tpu.memory_space<vmem>>) dst(%dma_wait3A_85 : memref<1024xf32, #tpu.memory_space<vmem_shared>>)
    %dma_wait3A_86 = arith.constant 4 : i32
    %dma_wait3A_87 = arith.constant 0 : i32
    %dma_wait3A_88 = tpu.memref_slice %arg4[%dma_wait3A_86, %dma_wait3A_87] : memref<8x128xi32, #tpu.memory_space<vmem>> -> memref<1x128xi32, #tpu.memory_space<vmem>>
    %dma_wait3A_89 = tpu.memref_squeeze %dma_wait3A_88 : memref<1x128xi32, #tpu.memory_space<vmem>> -> memref<128xi32, #tpu.memory_space<vmem>>
    %dma_wait3A_90 = arith.constant 0 : i32
    %dma_wait3A_91 = tpu.memref_slice %arg9[%dma_wait3A_90] : memref<1024xf32, #tpu.memory_space<vmem_shared>> -> memref<1024xf32, #tpu.memory_space<vmem_shared>>
    tpu.wait_indirect_dma semaphore(%arg11 : memref<!tpu.dma_semaphore, #tpu.memory_space<semaphore_mem>>) src(%arg5 : memref<128xf32, #tpu.memory_space<vmem>>) dst(%dma_wait3A_91 : memref<1024xf32, #tpu.memory_space<vmem_shared>>)
    %dma_wait3A_92 = arith.constant 5 : i32
    %dma_wait3A_93 = arith.constant 0 : i32
    %dma_wait3A_94 = tpu.memref_slice %arg4[%dma_wait3A_92, %dma_wait3A_93] : memref<8x128xi32, #tpu.memory_space<vmem>> -> memref<1x128xi32, #tpu.memory_space<vmem>>
    %dma_wait3A_95 = tpu.memref_squeeze %dma_wait3A_94 : memref<1x128xi32, #tpu.memory_space<vmem>> -> memref<128xi32, #tpu.memory_space<vmem>>
    %dma_wait3A_96 = arith.constant 0 : i32
    %dma_wait3A_97 = tpu.memref_slice %arg9[%dma_wait3A_96] : memref<1024xf32, #tpu.memory_space<vmem_shared>> -> memref<1024xf32, #tpu.memory_space<vmem_shared>>
    tpu.wait_indirect_dma semaphore(%arg11 : memref<!tpu.dma_semaphore, #tpu.memory_space<semaphore_mem>>) src(%arg5 : memref<128xf32, #tpu.memory_space<vmem>>) dst(%dma_wait3A_97 : memref<1024xf32, #tpu.memory_space<vmem_shared>>)
    %dma_wait3A_98 = arith.constant 6 : i32
    %dma_wait3A_99 = arith.constant 0 : i32
    %dma_wait3A_100 = tpu.memref_slice %arg4[%dma_wait3A_98, %dma_wait3A_99] : memref<8x128xi32, #tpu.memory_space<vmem>> -> memref<1x128xi32, #tpu.memory_space<vmem>>
    %dma_wait3A_101 = tpu.memref_squeeze %dma_wait3A_100 : memref<1x128xi32, #tpu.memory_space<vmem>> -> memref<128xi32, #tpu.memory_space<vmem>>
    %dma_wait3A_102 = arith.constant 0 : i32
    %dma_wait3A_103 = tpu.memref_slice %arg9[%dma_wait3A_102] : memref<1024xf32, #tpu.memory_space<vmem_shared>> -> memref<1024xf32, #tpu.memory_space<vmem_shared>>
    tpu.wait_indirect_dma semaphore(%arg11 : memref<!tpu.dma_semaphore, #tpu.memory_space<semaphore_mem>>) src(%arg5 : memref<128xf32, #tpu.memory_space<vmem>>) dst(%dma_wait3A_103 : memref<1024xf32, #tpu.memory_space<vmem_shared>>)
    %dma_wait3A_104 = arith.constant 7 : i32
    %dma_wait3A_105 = arith.constant 0 : i32
    %dma_wait3A_106 = tpu.memref_slice %arg4[%dma_wait3A_104, %dma_wait3A_105] : memref<8x128xi32, #tpu.memory_space<vmem>> -> memref<1x128xi32, #tpu.memory_space<vmem>>
    %dma_wait3A_107 = tpu.memref_squeeze %dma_wait3A_106 : memref<1x128xi32, #tpu.memory_space<vmem>> -> memref<128xi32, #tpu.memory_space<vmem>>
    %dma_wait3A_108 = arith.constant 0 : i32
    %dma_wait3A_109 = tpu.memref_slice %arg9[%dma_wait3A_108] : memref<1024xf32, #tpu.memory_space<vmem_shared>> -> memref<1024xf32, #tpu.memory_space<vmem_shared>>
    tpu.wait_indirect_dma semaphore(%arg11 : memref<!tpu.dma_semaphore, #tpu.memory_space<semaphore_mem>>) src(%arg5 : memref<128xf32, #tpu.memory_space<vmem>>) dst(%dma_wait3A_109 : memref<1024xf32, #tpu.memory_space<vmem_shared>>)
    %barrier3A_110 = arith.constant 0 : index
    tpu.barrier barrier_id(%barrier3A_110)
    %eq3A_111 = arith.constant 0 : i32
    %eq3A_112 = arith.cmpi eq, %arg1, %eq3A_111 : i32
    %convert_element_type3A_113 = arith.extui %eq3A_112 : i1 to i32
    %cond3A_114 = arith.constant 0 : i32
    %cond3A_115 = arith.cmpi ne, %convert_element_type3A_113, %cond3A_114 : i32
    scf.if %cond3A_115 {
      "tpu.region"() ({
        %run_scoped3A_543 = tpu.sem_alloc : memref<!tpu.dma_semaphore, #tpu.memory_space<semaphore_mem>>
        tpu.enqueue_dma source(%arg9 : memref<1024xf32, #tpu.memory_space<vmem_shared>>) target(%arg6 : memref<1024xf32, #tpu.memory_space<vmem>>) target_semaphore(%run_scoped3A_543 : memref<!tpu.dma_semaphore, #tpu.memory_space<semaphore_mem>>)
        tpu.wait_dma2 semaphore(%run_scoped3A_543 : memref<!tpu.dma_semaphore, #tpu.memory_space<semaphore_mem>>) src(%arg9 : memref<1024xf32, #tpu.memory_space<vmem_shared>>) dst(%arg6 : memref<1024xf32, #tpu.memory_space<vmem>>)
        tpu.yield
      }) : () -> ()
      %broadcast_in_dim3A = arith.constant 0.000000e+00 : f32
      %broadcast_in_dim3A_483 = vector.broadcast %broadcast_in_dim3A : f32 to vector<16xf32>
      %scan3A_484 = arith.constant 0 : i32
      %scan3A_485 = arith.constant 64 : i32
      %scan3A_486 = arith.addi %scan3A_484, %scan3A_485 : i32
      %scan3A_487 = arith.constant 1 : i32
      %scan3A_488 = scf.for %scan3A_543 = %scan3A_484 to %scan3A_486 step %scan3A_487 iter_args(%scan3A_544 = %broadcast_in_dim3A_483) -> (vector<16xf32>)  : i32 {
        %mul3A_545 = arith.constant 16 : i32
        %mul3A_546 = arith.muli %scan3A_543, %mul3A_545 : i32
        %get3A_547 = arith.index_cast %mul3A_546 : i32 to index
        %get3A_548 = tpu.vector_load %arg6[%get3A_547] {strides = array<i32>} : memref<1024xf32, #tpu.memory_space<vmem>>, vector<16xf32>,
        %get3A_549 = vector.shape_cast %get3A_548 : vector<16xf32> to vector<16xf32>
        %mul3A_550 = arith.constant 16 : i32
        %mul3A_551 = arith.muli %scan3A_543, %mul3A_550 : i32
        %iota3A = tpu.iota {dimensions = array<i32: 0>} : vector<16xi32>
        %add3A_552 = vector.broadcast %mul3A_551 : i32 to vector<16xi32>
        %add3A_553 = arith.addi %add3A_552, %iota3A : vector<16xi32>
        %lt3A_554 = arith.constant 1000 : i32
        %lt3A_555 = vector.broadcast %lt3A_554 : i32 to vector<16xi32>
        %lt3A_556 = arith.cmpi slt, %add3A_553, %lt3A_555 : vector<16xi32>
        %add3A_557 = arith.constant 9.99999974E-6 : f32
        %add3A_558 = vector.broadcast %add3A_557 : f32 to vector<16xf32>
        %add3A_559 = arith.addf %get3A_549, %add3A_558 : vector<16xf32>
        %div3A_560 = arith.constant 1.000000e+00 : f32
        %div3A_561 = vector.broadcast %div3A_560 : f32 to vector<16xf32>
        %div3A_562 = arith.divf %div3A_561, %add3A_559 : vector<16xf32>
        %jit3A_563 = arith.constant 0.000000e+00 : f32
        %broadcast_in_dim3A_564 = vector.broadcast %jit3A_563 : f32 to vector<16xf32>
        %select_n3A_565 = arith.select %lt3A_556, %div3A_562, %broadcast_in_dim3A_564 : vector<16xi1>, vector<16xf32>
        %mul3A_566 = arith.constant 16 : i32
        %mul3A_567 = arith.muli %scan3A_543, %mul3A_566 : i32
        %swap3A_568 = arith.index_cast %mul3A_567 : i32 to index
        %swap3A_569 = tpu.vector_load %arg7[%swap3A_568] {strides = array<i32>} : memref<1024xf32, #tpu.memory_space<vmem>>, vector<16xf32>,
        %swap3A_570 = vector.shape_cast %swap3A_569 : vector<16xf32> to vector<16xf32>
        %swap3A_571 = vector.shape_cast %select_n3A_565 : vector<16xf32> to vector<16xf32>
        tpu.vector_store %arg7[%swap3A_568], %swap3A_571 {strides = array<i32>} : memref<1024xf32, #tpu.memory_space<vmem>>, vector<16xf32>,
        %add3A_572 = arith.addf %scan3A_544, %select_n3A_565 : vector<16xf32>
        scf.yield %add3A_572 : vector<16xf32>
      }
      %scan3A_489 = arith.constant 64 : i32
      %slice3A = vector.extract_strided_slice %scan3A_488 {offsets = [0], sizes = [1], strides = [1]} : vector<16xf32> to vector<1xf32>
      %squeeze3A = vector.extract %slice3A[0] : f32 from vector<1xf32>
      %slice3A_490 = vector.extract_strided_slice %scan3A_488 {offsets = [1], sizes = [1], strides = [1]} : vector<16xf32> to vector<1xf32>
      %squeeze3A_491 = vector.extract %slice3A_490[0] : f32 from vector<1xf32>
      %add3A_492 = arith.addf %squeeze3A, %squeeze3A_491 : f32
      %slice3A_493 = vector.extract_strided_slice %scan3A_488 {offsets = [2], sizes = [1], strides = [1]} : vector<16xf32> to vector<1xf32>
      %squeeze3A_494 = vector.extract %slice3A_493[0] : f32 from vector<1xf32>
      %add3A_495 = arith.addf %add3A_492, %squeeze3A_494 : f32
      %slice3A_496 = vector.extract_strided_slice %scan3A_488 {offsets = [3], sizes = [1], strides = [1]} : vector<16xf32> to vector<1xf32>
      %squeeze3A_497 = vector.extract %slice3A_496[0] : f32 from vector<1xf32>
      %add3A_498 = arith.addf %add3A_495, %squeeze3A_497 : f32
      %slice3A_499 = vector.extract_strided_slice %scan3A_488 {offsets = [4], sizes = [1], strides = [1]} : vector<16xf32> to vector<1xf32>
      %squeeze3A_500 = vector.extract %slice3A_499[0] : f32 from vector<1xf32>
      %add3A_501 = arith.addf %add3A_498, %squeeze3A_500 : f32
      %slice3A_502 = vector.extract_strided_slice %scan3A_488 {offsets = [5], sizes = [1], strides = [1]} : vector<16xf32> to vector<1xf32>
      %squeeze3A_503 = vector.extract %slice3A_502[0] : f32 from vector<1xf32>
      %add3A_504 = arith.addf %add3A_501, %squeeze3A_503 : f32
      %slice3A_505 = vector.extract_strided_slice %scan3A_488 {offsets = [6], sizes = [1], strides = [1]} : vector<16xf32> to vector<1xf32>
      %squeeze3A_506 = vector.extract %slice3A_505[0] : f32 from vector<1xf32>
      %add3A_507 = arith.addf %add3A_504, %squeeze3A_506 : f32
      %slice3A_508 = vector.extract_strided_slice %scan3A_488 {offsets = [7], sizes = [1], strides = [1]} : vector<16xf32> to vector<1xf32>
      %squeeze3A_509 = vector.extract %slice3A_508[0] : f32 from vector<1xf32>
      %add3A_510 = arith.addf %add3A_507, %squeeze3A_509 : f32
      %slice3A_511 = vector.extract_strided_slice %scan3A_488 {offsets = [8], sizes = [1], strides = [1]} : vector<16xf32> to vector<1xf32>
      %squeeze3A_512 = vector.extract %slice3A_511[0] : f32 from vector<1xf32>
      %add3A_513 = arith.addf %add3A_510, %squeeze3A_512 : f32
      %slice3A_514 = vector.extract_strided_slice %scan3A_488 {offsets = [9], sizes = [1], strides = [1]} : vector<16xf32> to vector<1xf32>
      %squeeze3A_515 = vector.extract %slice3A_514[0] : f32 from vector<1xf32>
      %add3A_516 = arith.addf %add3A_513, %squeeze3A_515 : f32
      %slice3A_517 = vector.extract_strided_slice %scan3A_488 {offsets = [10], sizes = [1], strides = [1]} : vector<16xf32> to vector<1xf32>
      %squeeze3A_518 = vector.extract %slice3A_517[0] : f32 from vector<1xf32>
      %add3A_519 = arith.addf %add3A_516, %squeeze3A_518 : f32
      %slice3A_520 = vector.extract_strided_slice %scan3A_488 {offsets = [11], sizes = [1], strides = [1]} : vector<16xf32> to vector<1xf32>
      %squeeze3A_521 = vector.extract %slice3A_520[0] : f32 from vector<1xf32>
      %add3A_522 = arith.addf %add3A_519, %squeeze3A_521 : f32
      %slice3A_523 = vector.extract_strided_slice %scan3A_488 {offsets = [12], sizes = [1], strides = [1]} : vector<16xf32> to vector<1xf32>
      %squeeze3A_524 = vector.extract %slice3A_523[0] : f32 from vector<1xf32>
      %add3A_525 = arith.addf %add3A_522, %squeeze3A_524 : f32
      %slice3A_526 = vector.extract_strided_slice %scan3A_488 {offsets = [13], sizes = [1], strides = [1]} : vector<16xf32> to vector<1xf32>
      %squeeze3A_527 = vector.extract %slice3A_526[0] : f32 from vector<1xf32>
      %add3A_528 = arith.addf %add3A_525, %squeeze3A_527 : f32
      %slice3A_529 = vector.extract_strided_slice %scan3A_488 {offsets = [14], sizes = [1], strides = [1]} : vector<16xf32> to vector<1xf32>
      %squeeze3A_530 = vector.extract %slice3A_529[0] : f32 from vector<1xf32>
      %add3A_531 = arith.addf %add3A_528, %squeeze3A_530 : f32
      %slice3A_532 = vector.extract_strided_slice %scan3A_488 {offsets = [15], sizes = [1], strides = [1]} : vector<16xf32> to vector<1xf32>
      %squeeze3A_533 = vector.extract %slice3A_532[0] : f32 from vector<1xf32>
      %add3A_534 = arith.addf %add3A_531, %squeeze3A_533 : f32
      %broadcast_in_dim3A_535 = arith.constant 1.000000e+03 : f32
      %broadcast_in_dim3A_536 = vector.broadcast %broadcast_in_dim3A_535 : f32 to vector<16xf32>
      %div3A_537 = vector.broadcast %add3A_534 : f32 to vector<16xf32>
      %div3A_538 = arith.divf %broadcast_in_dim3A_536, %div3A_537 : vector<16xf32>
      %swap3A_539 = arith.constant 0 : index
      %swap3A_540 = tpu.vector_load %arg5[%swap3A_539] {strides = array<i32>} : memref<128xf32, #tpu.memory_space<vmem>>, vector<16xf32>,
      %swap3A_541 = vector.shape_cast %swap3A_540 : vector<16xf32> to vector<16xf32>
      %swap3A_542 = vector.shape_cast %div3A_538 : vector<16xf32> to vector<16xf32>
      tpu.vector_store %arg5[%swap3A_539], %swap3A_542 {strides = array<i32>} : memref<128xf32, #tpu.memory_space<vmem>>, vector<16xf32>,
      "tpu.region"() ({
        %run_scoped3A_543 = tpu.sem_alloc : memref<!tpu.dma_semaphore, #tpu.memory_space<semaphore_mem>>
        tpu.enqueue_dma source(%arg7 : memref<1024xf32, #tpu.memory_space<vmem>>) target(%arg10 : memref<1024xf32, #tpu.memory_space<vmem_shared>>) target_semaphore(%run_scoped3A_543 : memref<!tpu.dma_semaphore, #tpu.memory_space<semaphore_mem>>)
        tpu.wait_dma2 semaphore(%run_scoped3A_543 : memref<!tpu.dma_semaphore, #tpu.memory_space<semaphore_mem>>) src(%arg7 : memref<1024xf32, #tpu.memory_space<vmem>>) dst(%arg10 : memref<1024xf32, #tpu.memory_space<vmem_shared>>)
        tpu.yield
      }) : () -> ()
      "tpu.region"() ({
        %run_scoped3A_543 = tpu.sem_alloc : memref<!tpu.dma_semaphore, #tpu.memory_space<semaphore_mem>>
        %dma_start3A_544 = arith.constant 0 : i32
        %dma_start3A_545 = tpu.memref_slice %arg5[%dma_start3A_544] : memref<128xf32, #tpu.memory_space<vmem>> -> memref<16xf32, #tpu.memory_space<vmem>>
        %dma_start3A_546 = arith.constant 0 : i32
        %dma_start3A_547 = tpu.memref_slice %arg9[%dma_start3A_546] : memref<1024xf32, #tpu.memory_space<vmem_shared>> -> memref<16xf32, #tpu.memory_space<vmem_shared>>
        %dma_start3A_548 = arith.constant 0 : i32
        %dma_start3A_549 = tpu.memref_slice %arg9[%dma_start3A_548] : memref<1024xf32, #tpu.memory_space<vmem_shared>> -> memref<16xf32, #tpu.memory_space<vmem_shared>>
        %dma_start3A_550 = arith.constant 0 : i32
        %dma_start3A_551 = tpu.memref_slice %arg5[%dma_start3A_550] : memref<128xf32, #tpu.memory_space<vmem>> -> memref<16xf32, #tpu.memory_space<vmem>>
        tpu.enqueue_dma source(%dma_start3A_551 : memref<16xf32, #tpu.memory_space<vmem>>) target(%dma_start3A_549 : memref<16xf32, #tpu.memory_space<vmem_shared>>) target_semaphore(%run_scoped3A_543 : memref<!tpu.dma_semaphore, #tpu.memory_space<semaphore_mem>>)
        %dma_wait3A_552 = arith.constant 0 : i32
        %dma_wait3A_553 = tpu.memref_slice %arg5[%dma_wait3A_552] : memref<128xf32, #tpu.memory_space<vmem>> -> memref<16xf32, #tpu.memory_space<vmem>>
        %dma_wait3A_554 = arith.constant 0 : i32
        %dma_wait3A_555 = tpu.memref_slice %arg9[%dma_wait3A_554] : memref<1024xf32, #tpu.memory_space<vmem_shared>> -> memref<16xf32, #tpu.memory_space<vmem_shared>>
        %dma_wait3A_556 = arith.constant 0 : i32
        %dma_wait3A_557 = tpu.memref_slice %arg9[%dma_wait3A_556] : memref<1024xf32, #tpu.memory_space<vmem_shared>> -> memref<16xf32, #tpu.memory_space<vmem_shared>>
        %dma_wait3A_558 = arith.constant 0 : i32
        %dma_wait3A_559 = tpu.memref_slice %arg5[%dma_wait3A_558] : memref<128xf32, #tpu.memory_space<vmem>> -> memref<16xf32, #tpu.memory_space<vmem>>
        tpu.wait_dma2 semaphore(%run_scoped3A_543 : memref<!tpu.dma_semaphore, #tpu.memory_space<semaphore_mem>>) src(%dma_wait3A_559 : memref<16xf32, #tpu.memory_space<vmem>>) dst(%dma_wait3A_557 : memref<16xf32, #tpu.memory_space<vmem_shared>>)
        tpu.yield
      }) : () -> ()
    } else {
    }
    %barrier3A_116 = arith.constant 0 : index
    tpu.barrier barrier_id(%barrier3A_116)
    %mul3A_117 = arith.constant 8 : i32
    %mul3A_118 = arith.muli %arg1, %mul3A_117 : i32
    %mul3A_119 = arith.constant 4 : i32
    %mul3A_120 = arith.muli %arg0, %mul3A_119 : i32
    %add3A = arith.addi %mul3A_118, %mul3A_120 : i32
    %mul3A_121 = arith.constant 128 : i32
    %mul3A_122 = arith.muli %add3A, %mul3A_121 : i32
    "tpu.region"() ({
      %run_scoped3A_483 = tpu.sem_alloc : memref<!tpu.dma_semaphore, #tpu.memory_space<semaphore_mem>>
      %dma_start3A_484 = arith.constant 0 : i32
      %dma_start3A_485 = tpu.memref_slice %arg5[%dma_start3A_484] : memref<128xf32, #tpu.memory_space<vmem>> -> memref<16xf32, #tpu.memory_space<vmem>>
      %dma_start3A_486 = arith.constant 0 : i32
      %dma_start3A_487 = tpu.memref_slice %arg9[%dma_start3A_486] : memref<1024xf32, #tpu.memory_space<vmem_shared>> -> memref<16xf32, #tpu.memory_space<vmem_shared>>
      %dma_start3A_488 = arith.constant 0 : i32
      %dma_start3A_489 = tpu.memref_slice %arg5[%dma_start3A_488] : memref<128xf32, #tpu.memory_space<vmem>> -> memref<16xf32, #tpu.memory_space<vmem>>
      %dma_start3A_490 = arith.constant 0 : i32
      %dma_start3A_491 = tpu.memref_slice %arg9[%dma_start3A_490] : memref<1024xf32, #tpu.memory_space<vmem_shared>> -> memref<16xf32, #tpu.memory_space<vmem_shared>>
      tpu.enqueue_dma source(%dma_start3A_491 : memref<16xf32, #tpu.memory_space<vmem_shared>>) target(%dma_start3A_489 : memref<16xf32, #tpu.memory_space<vmem>>) target_semaphore(%run_scoped3A_483 : memref<!tpu.dma_semaphore, #tpu.memory_space<semaphore_mem>>)
      %dma_wait3A_492 = arith.constant 0 : i32
      %dma_wait3A_493 = tpu.memref_slice %arg5[%dma_wait3A_492] : memref<128xf32, #tpu.memory_space<vmem>> -> memref<16xf32, #tpu.memory_space<vmem>>
      %dma_wait3A_494 = arith.constant 0 : i32
      %dma_wait3A_495 = tpu.memref_slice %arg9[%dma_wait3A_494] : memref<1024xf32, #tpu.memory_space<vmem_shared>> -> memref<16xf32, #tpu.memory_space<vmem_shared>>
      %dma_wait3A_496 = arith.constant 0 : i32
      %dma_wait3A_497 = tpu.memref_slice %arg5[%dma_wait3A_496] : memref<128xf32, #tpu.memory_space<vmem>> -> memref<16xf32, #tpu.memory_space<vmem>>
      %dma_wait3A_498 = arith.constant 0 : i32
      %dma_wait3A_499 = tpu.memref_slice %arg9[%dma_wait3A_498] : memref<1024xf32, #tpu.memory_space<vmem_shared>> -> memref<16xf32, #tpu.memory_space<vmem_shared>>
      tpu.wait_dma2 semaphore(%run_scoped3A_483 : memref<!tpu.dma_semaphore, #tpu.memory_space<semaphore_mem>>) src(%dma_wait3A_499 : memref<16xf32, #tpu.memory_space<vmem_shared>>) dst(%dma_wait3A_497 : memref<16xf32, #tpu.memory_space<vmem>>)
      tpu.yield
    }) : () -> ()
    %get3A = arith.constant 0 : index
    %get3A_123 = tpu.vector_load %arg5[%get3A] {strides = array<i32>} : memref<128xf32, #tpu.memory_space<vmem>>, vector<16xf32>,
    %get3A_124 = vector.shape_cast %get3A_123 : vector<16xf32> to vector<16xf32>
    %mul3A_125 = arith.constant 4 : i32
    %mul3A_126 = arith.muli %arg0, %mul3A_125 : i32
    %add3A_127 = arith.constant 0 : i32
    %add3A_128 = arith.addi %mul3A_126, %add3A_127 : i32
    %dma_start3A_129 = arith.constant 0 : i32
    %dma_start3A_130 = tpu.memref_slice %arg8[%dma_start3A_129] : memref<512xf32, #tpu.memory_space<vmem>> -> memref<128xf32, #tpu.memory_space<vmem>>
    %dma_start3A_131 = arith.constant 0 : i32
    %dma_start3A_132 = tpu.memref_slice %arg4[%add3A_128, %dma_start3A_131] : memref<8x128xi32, #tpu.memory_space<vmem>> -> memref<1x128xi32, #tpu.memory_space<vmem>>
    %dma_start3A_133 = tpu.memref_squeeze %dma_start3A_132 : memref<1x128xi32, #tpu.memory_space<vmem>> -> memref<128xi32, #tpu.memory_space<vmem>>
    %dma_start3A_134 = arith.constant 0 : i32
    %dma_start3A_135 = tpu.memref_slice %arg10[%dma_start3A_134] : memref<1024xf32, #tpu.memory_space<vmem_shared>> -> memref<1024xf32, #tpu.memory_space<vmem_shared>>
    tpu.enqueue_indirect_dma source(%dma_start3A_135 : memref<1024xf32, #tpu.memory_space<vmem_shared>>) target(%dma_start3A_130 : memref<128xf32, #tpu.memory_space<vmem>>) offsets(%dma_start3A_133 : memref<128xi32, #tpu.memory_space<vmem>>) semaphore(%arg11 : memref<!tpu.dma_semaphore, #tpu.memory_space<semaphore_mem>>)
    %mul3A_136 = arith.constant 4 : i32
    %mul3A_137 = arith.muli %arg0, %mul3A_136 : i32
    %add3A_138 = arith.constant 1 : i32
    %add3A_139 = arith.addi %mul3A_137, %add3A_138 : i32
    %dma_start3A_140 = arith.constant 128 : i32
    %dma_start3A_141 = tpu.memref_slice %arg8[%dma_start3A_140] : memref<512xf32, #tpu.memory_space<vmem>> -> memref<128xf32, #tpu.memory_space<vmem>>
    %dma_start3A_142 = arith.constant 0 : i32
    %dma_start3A_143 = tpu.memref_slice %arg4[%add3A_139, %dma_start3A_142] : memref<8x128xi32, #tpu.memory_space<vmem>> -> memref<1x128xi32, #tpu.memory_space<vmem>>
    %dma_start3A_144 = tpu.memref_squeeze %dma_start3A_143 : memref<1x128xi32, #tpu.memory_space<vmem>> -> memref<128xi32, #tpu.memory_space<vmem>>
    %dma_start3A_145 = arith.constant 0 : i32
    %dma_start3A_146 = tpu.memref_slice %arg10[%dma_start3A_145] : memref<1024xf32, #tpu.memory_space<vmem_shared>> -> memref<1024xf32, #tpu.memory_space<vmem_shared>>
    tpu.enqueue_indirect_dma source(%dma_start3A_146 : memref<1024xf32, #tpu.memory_space<vmem_shared>>) target(%dma_start3A_141 : memref<128xf32, #tpu.memory_space<vmem>>) offsets(%dma_start3A_144 : memref<128xi32, #tpu.memory_space<vmem>>) semaphore(%arg11 : memref<!tpu.dma_semaphore, #tpu.memory_space<semaphore_mem>>)
    %mul3A_147 = arith.constant 4 : i32
    %mul3A_148 = arith.muli %arg0, %mul3A_147 : i32
    %add3A_149 = arith.constant 2 : i32
    %add3A_150 = arith.addi %mul3A_148, %add3A_149 : i32
    %dma_start3A_151 = arith.constant 256 : i32
    %dma_start3A_152 = tpu.memref_slice %arg8[%dma_start3A_151] : memref<512xf32, #tpu.memory_space<vmem>> -> memref<128xf32, #tpu.memory_space<vmem>>
    %dma_start3A_153 = arith.constant 0 : i32
    %dma_start3A_154 = tpu.memref_slice %arg4[%add3A_150, %dma_start3A_153] : memref<8x128xi32, #tpu.memory_space<vmem>> -> memref<1x128xi32, #tpu.memory_space<vmem>>
    %dma_start3A_155 = tpu.memref_squeeze %dma_start3A_154 : memref<1x128xi32, #tpu.memory_space<vmem>> -> memref<128xi32, #tpu.memory_space<vmem>>
    %dma_start3A_156 = arith.constant 0 : i32
    %dma_start3A_157 = tpu.memref_slice %arg10[%dma_start3A_156] : memref<1024xf32, #tpu.memory_space<vmem_shared>> -> memref<1024xf32, #tpu.memory_space<vmem_shared>>
    tpu.enqueue_indirect_dma source(%dma_start3A_157 : memref<1024xf32, #tpu.memory_space<vmem_shared>>) target(%dma_start3A_152 : memref<128xf32, #tpu.memory_space<vmem>>) offsets(%dma_start3A_155 : memref<128xi32, #tpu.memory_space<vmem>>) semaphore(%arg11 : memref<!tpu.dma_semaphore, #tpu.memory_space<semaphore_mem>>)
    %mul3A_158 = arith.constant 4 : i32
    %mul3A_159 = arith.muli %arg0, %mul3A_158 : i32
    %add3A_160 = arith.constant 3 : i32
    %add3A_161 = arith.addi %mul3A_159, %add3A_160 : i32
    %dma_start3A_162 = arith.constant 384 : i32
    %dma_start3A_163 = tpu.memref_slice %arg8[%dma_start3A_162] : memref<512xf32, #tpu.memory_space<vmem>> -> memref<128xf32, #tpu.memory_space<vmem>>
    %dma_start3A_164 = arith.constant 0 : i32
    %dma_start3A_165 = tpu.memref_slice %arg4[%add3A_161, %dma_start3A_164] : memref<8x128xi32, #tpu.memory_space<vmem>> -> memref<1x128xi32, #tpu.memory_space<vmem>>
    %dma_start3A_166 = tpu.memref_squeeze %dma_start3A_165 : memref<1x128xi32, #tpu.memory_space<vmem>> -> memref<128xi32, #tpu.memory_space<vmem>>
    %dma_start3A_167 = arith.constant 0 : i32
    %dma_start3A_168 = tpu.memref_slice %arg10[%dma_start3A_167] : memref<1024xf32, #tpu.memory_space<vmem_shared>> -> memref<1024xf32, #tpu.memory_space<vmem_shared>>
    tpu.enqueue_indirect_dma source(%dma_start3A_168 : memref<1024xf32, #tpu.memory_space<vmem_shared>>) target(%dma_start3A_163 : memref<128xf32, #tpu.memory_space<vmem>>) offsets(%dma_start3A_166 : memref<128xi32, #tpu.memory_space<vmem>>) semaphore(%arg11 : memref<!tpu.dma_semaphore, #tpu.memory_space<semaphore_mem>>)
    %dma_wait3A_169 = arith.constant 0 : i32
    %dma_wait3A_170 = tpu.memref_slice %arg8[%dma_wait3A_169] : memref<512xf32, #tpu.memory_space<vmem>> -> memref<128xf32, #tpu.memory_space<vmem>>
    %dma_wait3A_171 = arith.constant 0 : i32
    %dma_wait3A_172 = tpu.memref_slice %arg4[%add3A_128, %dma_wait3A_171] : memref<8x128xi32, #tpu.memory_space<vmem>> -> memref<1x128xi32, #tpu.memory_space<vmem>>
    %dma_wait3A_173 = tpu.memref_squeeze %dma_wait3A_172 : memref<1x128xi32, #tpu.memory_space<vmem>> -> memref<128xi32, #tpu.memory_space<vmem>>
    %dma_wait3A_174 = arith.constant 0 : i32
    %dma_wait3A_175 = tpu.memref_slice %arg10[%dma_wait3A_174] : memref<1024xf32, #tpu.memory_space<vmem_shared>> -> memref<1024xf32, #tpu.memory_space<vmem_shared>>
    tpu.wait_indirect_dma semaphore(%arg11 : memref<!tpu.dma_semaphore, #tpu.memory_space<semaphore_mem>>) src(%dma_wait3A_175 : memref<1024xf32, #tpu.memory_space<vmem_shared>>) dst(%dma_wait3A_170 : memref<128xf32, #tpu.memory_space<vmem>>)
    %dma_wait3A_176 = arith.constant 128 : i32
    %dma_wait3A_177 = tpu.memref_slice %arg8[%dma_wait3A_176] : memref<512xf32, #tpu.memory_space<vmem>> -> memref<128xf32, #tpu.memory_space<vmem>>
    %dma_wait3A_178 = arith.constant 0 : i32
    %dma_wait3A_179 = tpu.memref_slice %arg4[%add3A_139, %dma_wait3A_178] : memref<8x128xi32, #tpu.memory_space<vmem>> -> memref<1x128xi32, #tpu.memory_space<vmem>>
    %dma_wait3A_180 = tpu.memref_squeeze %dma_wait3A_179 : memref<1x128xi32, #tpu.memory_space<vmem>> -> memref<128xi32, #tpu.memory_space<vmem>>
    %dma_wait3A_181 = arith.constant 0 : i32
    %dma_wait3A_182 = tpu.memref_slice %arg10[%dma_wait3A_181] : memref<1024xf32, #tpu.memory_space<vmem_shared>> -> memref<1024xf32, #tpu.memory_space<vmem_shared>>
    tpu.wait_indirect_dma semaphore(%arg11 : memref<!tpu.dma_semaphore, #tpu.memory_space<semaphore_mem>>) src(%dma_wait3A_182 : memref<1024xf32, #tpu.memory_space<vmem_shared>>) dst(%dma_wait3A_177 : memref<128xf32, #tpu.memory_space<vmem>>)
    %dma_wait3A_183 = arith.constant 256 : i32
    %dma_wait3A_184 = tpu.memref_slice %arg8[%dma_wait3A_183] : memref<512xf32, #tpu.memory_space<vmem>> -> memref<128xf32, #tpu.memory_space<vmem>>
    %dma_wait3A_185 = arith.constant 0 : i32
    %dma_wait3A_186 = tpu.memref_slice %arg4[%add3A_150, %dma_wait3A_185] : memref<8x128xi32, #tpu.memory_space<vmem>> -> memref<1x128xi32, #tpu.memory_space<vmem>>
    %dma_wait3A_187 = tpu.memref_squeeze %dma_wait3A_186 : memref<1x128xi32, #tpu.memory_space<vmem>> -> memref<128xi32, #tpu.memory_space<vmem>>
    %dma_wait3A_188 = arith.constant 0 : i32
    %dma_wait3A_189 = tpu.memref_slice %arg10[%dma_wait3A_188] : memref<1024xf32, #tpu.memory_space<vmem_shared>> -> memref<1024xf32, #tpu.memory_space<vmem_shared>>
    tpu.wait_indirect_dma semaphore(%arg11 : memref<!tpu.dma_semaphore, #tpu.memory_space<semaphore_mem>>) src(%dma_wait3A_189 : memref<1024xf32, #tpu.memory_space<vmem_shared>>) dst(%dma_wait3A_184 : memref<128xf32, #tpu.memory_space<vmem>>)
    %dma_wait3A_190 = arith.constant 384 : i32
    %dma_wait3A_191 = tpu.memref_slice %arg8[%dma_wait3A_190] : memref<512xf32, #tpu.memory_space<vmem>> -> memref<128xf32, #tpu.memory_space<vmem>>
    %dma_wait3A_192 = arith.constant 0 : i32
    %dma_wait3A_193 = tpu.memref_slice %arg4[%add3A_161, %dma_wait3A_192] : memref<8x128xi32, #tpu.memory_space<vmem>> -> memref<1x128xi32, #tpu.memory_space<vmem>>
    %dma_wait3A_194 = tpu.memref_squeeze %dma_wait3A_193 : memref<1x128xi32, #tpu.memory_space<vmem>> -> memref<128xi32, #tpu.memory_space<vmem>>
    %dma_wait3A_195 = arith.constant 0 : i32
    %dma_wait3A_196 = tpu.memref_slice %arg10[%dma_wait3A_195] : memref<1024xf32, #tpu.memory_space<vmem_shared>> -> memref<1024xf32, #tpu.memory_space<vmem_shared>>
    tpu.wait_indirect_dma semaphore(%arg11 : memref<!tpu.dma_semaphore, #tpu.memory_space<semaphore_mem>>) src(%dma_wait3A_196 : memref<1024xf32, #tpu.memory_space<vmem_shared>>) dst(%dma_wait3A_191 : memref<128xf32, #tpu.memory_space<vmem>>)
    %get3A_197 = arith.constant 0 : index
    %get3A_198 = tpu.vector_load %arg8[%get3A_197] {strides = array<i32>} : memref<512xf32, #tpu.memory_space<vmem>>, vector<16xf32>,
    %get3A_199 = vector.shape_cast %get3A_198 : vector<16xf32> to vector<16xf32>
    %mul3A_200 = arith.mulf %get3A_199, %get3A_124 : vector<16xf32>
    %swap3A = arith.constant 0 : index
    %swap3A_201 = tpu.vector_load %arg8[%swap3A] {strides = array<i32>} : memref<512xf32, #tpu.memory_space<vmem>>, vector<16xf32>,
    %swap3A_202 = vector.shape_cast %swap3A_201 : vector<16xf32> to vector<16xf32>
    %swap3A_203 = vector.shape_cast %mul3A_200 : vector<16xf32> to vector<16xf32>
    tpu.vector_store %arg8[%swap3A], %swap3A_203 {strides = array<i32>} : memref<512xf32, #tpu.memory_space<vmem>>, vector<16xf32>,
    %get3A_204 = arith.constant 16 : index
    %get3A_205 = tpu.vector_load %arg8[%get3A_204] {strides = array<i32>} : memref<512xf32, #tpu.memory_space<vmem>>, vector<16xf32>,
    %get3A_206 = vector.shape_cast %get3A_205 : vector<16xf32> to vector<16xf32>
    %mul3A_207 = arith.mulf %get3A_206, %get3A_124 : vector<16xf32>
    %swap3A_208 = arith.constant 16 : index
    %swap3A_209 = tpu.vector_load %arg8[%swap3A_208] {strides = array<i32>} : memref<512xf32, #tpu.memory_space<vmem>>, vector<16xf32>,
    %swap3A_210 = vector.shape_cast %swap3A_209 : vector<16xf32> to vector<16xf32>
    %swap3A_211 = vector.shape_cast %mul3A_207 : vector<16xf32> to vector<16xf32>
    tpu.vector_store %arg8[%swap3A_208], %swap3A_211 {strides = array<i32>} : memref<512xf32, #tpu.memory_space<vmem>>, vector<16xf32>,
    %get3A_212 = arith.constant 32 : index
    %get3A_213 = tpu.vector_load %arg8[%get3A_212] {strides = array<i32>} : memref<512xf32, #tpu.memory_space<vmem>>, vector<16xf32>,
    %get3A_214 = vector.shape_cast %get3A_213 : vector<16xf32> to vector<16xf32>
    %mul3A_215 = arith.mulf %get3A_214, %get3A_124 : vector<16xf32>
    %swap3A_216 = arith.constant 32 : index
    %swap3A_217 = tpu.vector_load %arg8[%swap3A_216] {strides = array<i32>} : memref<512xf32, #tpu.memory_space<vmem>>, vector<16xf32>,
    %swap3A_218 = vector.shape_cast %swap3A_217 : vector<16xf32> to vector<16xf32>
    %swap3A_219 = vector.shape_cast %mul3A_215 : vector<16xf32> to vector<16xf32>
    tpu.vector_store %arg8[%swap3A_216], %swap3A_219 {strides = array<i32>} : memref<512xf32, #tpu.memory_space<vmem>>, vector<16xf32>,
    %get3A_220 = arith.constant 48 : index
    %get3A_221 = tpu.vector_load %arg8[%get3A_220] {strides = array<i32>} : memref<512xf32, #tpu.memory_space<vmem>>, vector<16xf32>,
    %get3A_222 = vector.shape_cast %get3A_221 : vector<16xf32> to vector<16xf32>
    %mul3A_223 = arith.mulf %get3A_222, %get3A_124 : vector<16xf32>
    %swap3A_224 = arith.constant 48 : index
    %swap3A_225 = tpu.vector_load %arg8[%swap3A_224] {strides = array<i32>} : memref<512xf32, #tpu.memory_space<vmem>>, vector<16xf32>,
    %swap3A_226 = vector.shape_cast %swap3A_225 : vector<16xf32> to vector<16xf32>
    %swap3A_227 = vector.shape_cast %mul3A_223 : vector<16xf32> to vector<16xf32>
    tpu.vector_store %arg8[%swap3A_224], %swap3A_227 {strides = array<i32>} : memref<512xf32, #tpu.memory_space<vmem>>, vector<16xf32>,
    %get3A_228 = arith.constant 64 : index
    %get3A_229 = tpu.vector_load %arg8[%get3A_228] {strides = array<i32>} : memref<512xf32, #tpu.memory_space<vmem>>, vector<16xf32>,
    %get3A_230 = vector.shape_cast %get3A_229 : vector<16xf32> to vector<16xf32>
    %mul3A_231 = arith.mulf %get3A_230, %get3A_124 : vector<16xf32>
    %swap3A_232 = arith.constant 64 : index
    %swap3A_233 = tpu.vector_load %arg8[%swap3A_232] {strides = array<i32>} : memref<512xf32, #tpu.memory_space<vmem>>, vector<16xf32>,
    %swap3A_234 = vector.shape_cast %swap3A_233 : vector<16xf32> to vector<16xf32>
    %swap3A_235 = vector.shape_cast %mul3A_231 : vector<16xf32> to vector<16xf32>
    tpu.vector_store %arg8[%swap3A_232], %swap3A_235 {strides = array<i32>} : memref<512xf32, #tpu.memory_space<vmem>>, vector<16xf32>,
    %get3A_236 = arith.constant 80 : index
    %get3A_237 = tpu.vector_load %arg8[%get3A_236] {strides = array<i32>} : memref<512xf32, #tpu.memory_space<vmem>>, vector<16xf32>,
    %get3A_238 = vector.shape_cast %get3A_237 : vector<16xf32> to vector<16xf32>
    %mul3A_239 = arith.mulf %get3A_238, %get3A_124 : vector<16xf32>
    %swap3A_240 = arith.constant 80 : index
    %swap3A_241 = tpu.vector_load %arg8[%swap3A_240] {strides = array<i32>} : memref<512xf32, #tpu.memory_space<vmem>>, vector<16xf32>,
    %swap3A_242 = vector.shape_cast %swap3A_241 : vector<16xf32> to vector<16xf32>
    %swap3A_243 = vector.shape_cast %mul3A_239 : vector<16xf32> to vector<16xf32>
    tpu.vector_store %arg8[%swap3A_240], %swap3A_243 {strides = array<i32>} : memref<512xf32, #tpu.memory_space<vmem>>, vector<16xf32>,
    %get3A_244 = arith.constant 96 : index
    %get3A_245 = tpu.vector_load %arg8[%get3A_244] {strides = array<i32>} : memref<512xf32, #tpu.memory_space<vmem>>, vector<16xf32>,
    %get3A_246 = vector.shape_cast %get3A_245 : vector<16xf32> to vector<16xf32>
    %mul3A_247 = arith.mulf %get3A_246, %get3A_124 : vector<16xf32>
    %swap3A_248 = arith.constant 96 : index
    %swap3A_249 = tpu.vector_load %arg8[%swap3A_248] {strides = array<i32>} : memref<512xf32, #tpu.memory_space<vmem>>, vector<16xf32>,
    %swap3A_250 = vector.shape_cast %swap3A_249 : vector<16xf32> to vector<16xf32>
    %swap3A_251 = vector.shape_cast %mul3A_247 : vector<16xf32> to vector<16xf32>
    tpu.vector_store %arg8[%swap3A_248], %swap3A_251 {strides = array<i32>} : memref<512xf32, #tpu.memory_space<vmem>>, vector<16xf32>,
    %get3A_252 = arith.constant 112 : index
    %get3A_253 = tpu.vector_load %arg8[%get3A_252] {strides = array<i32>} : memref<512xf32, #tpu.memory_space<vmem>>, vector<16xf32>,
    %get3A_254 = vector.shape_cast %get3A_253 : vector<16xf32> to vector<16xf32>
    %mul3A_255 = arith.mulf %get3A_254, %get3A_124 : vector<16xf32>
    %swap3A_256 = arith.constant 112 : index
    %swap3A_257 = tpu.vector_load %arg8[%swap3A_256] {strides = array<i32>} : memref<512xf32, #tpu.memory_space<vmem>>, vector<16xf32>,
    %swap3A_258 = vector.shape_cast %swap3A_257 : vector<16xf32> to vector<16xf32>
    %swap3A_259 = vector.shape_cast %mul3A_255 : vector<16xf32> to vector<16xf32>
    tpu.vector_store %arg8[%swap3A_256], %swap3A_259 {strides = array<i32>} : memref<512xf32, #tpu.memory_space<vmem>>, vector<16xf32>,
    %get3A_260 = arith.constant 128 : index
    %get3A_261 = tpu.vector_load %arg8[%get3A_260] {strides = array<i32>} : memref<512xf32, #tpu.memory_space<vmem>>, vector<16xf32>,
    %get3A_262 = vector.shape_cast %get3A_261 : vector<16xf32> to vector<16xf32>
    %mul3A_263 = arith.mulf %get3A_262, %get3A_124 : vector<16xf32>
    %swap3A_264 = arith.constant 128 : index
    %swap3A_265 = tpu.vector_load %arg8[%swap3A_264] {strides = array<i32>} : memref<512xf32, #tpu.memory_space<vmem>>, vector<16xf32>,
    %swap3A_266 = vector.shape_cast %swap3A_265 : vector<16xf32> to vector<16xf32>
    %swap3A_267 = vector.shape_cast %mul3A_263 : vector<16xf32> to vector<16xf32>
    tpu.vector_store %arg8[%swap3A_264], %swap3A_267 {strides = array<i32>} : memref<512xf32, #tpu.memory_space<vmem>>, vector<16xf32>,
    %get3A_268 = arith.constant 144 : index
    %get3A_269 = tpu.vector_load %arg8[%get3A_268] {strides = array<i32>} : memref<512xf32, #tpu.memory_space<vmem>>, vector<16xf32>,
    %get3A_270 = vector.shape_cast %get3A_269 : vector<16xf32> to vector<16xf32>
    %mul3A_271 = arith.mulf %get3A_270, %get3A_124 : vector<16xf32>
    %swap3A_272 = arith.constant 144 : index
    %swap3A_273 = tpu.vector_load %arg8[%swap3A_272] {strides = array<i32>} : memref<512xf32, #tpu.memory_space<vmem>>, vector<16xf32>,
    %swap3A_274 = vector.shape_cast %swap3A_273 : vector<16xf32> to vector<16xf32>
    %swap3A_275 = vector.shape_cast %mul3A_271 : vector<16xf32> to vector<16xf32>
    tpu.vector_store %arg8[%swap3A_272], %swap3A_275 {strides = array<i32>} : memref<512xf32, #tpu.memory_space<vmem>>, vector<16xf32>,
    %get3A_276 = arith.constant 160 : index
    %get3A_277 = tpu.vector_load %arg8[%get3A_276] {strides = array<i32>} : memref<512xf32, #tpu.memory_space<vmem>>, vector<16xf32>,
    %get3A_278 = vector.shape_cast %get3A_277 : vector<16xf32> to vector<16xf32>
    %mul3A_279 = arith.mulf %get3A_278, %get3A_124 : vector<16xf32>
    %swap3A_280 = arith.constant 160 : index
    %swap3A_281 = tpu.vector_load %arg8[%swap3A_280] {strides = array<i32>} : memref<512xf32, #tpu.memory_space<vmem>>, vector<16xf32>,
    %swap3A_282 = vector.shape_cast %swap3A_281 : vector<16xf32> to vector<16xf32>
    %swap3A_283 = vector.shape_cast %mul3A_279 : vector<16xf32> to vector<16xf32>
    tpu.vector_store %arg8[%swap3A_280], %swap3A_283 {strides = array<i32>} : memref<512xf32, #tpu.memory_space<vmem>>, vector<16xf32>,
    %get3A_284 = arith.constant 176 : index
    %get3A_285 = tpu.vector_load %arg8[%get3A_284] {strides = array<i32>} : memref<512xf32, #tpu.memory_space<vmem>>, vector<16xf32>,
    %get3A_286 = vector.shape_cast %get3A_285 : vector<16xf32> to vector<16xf32>
    %mul3A_287 = arith.mulf %get3A_286, %get3A_124 : vector<16xf32>
    %swap3A_288 = arith.constant 176 : index
    %swap3A_289 = tpu.vector_load %arg8[%swap3A_288] {strides = array<i32>} : memref<512xf32, #tpu.memory_space<vmem>>, vector<16xf32>,
    %swap3A_290 = vector.shape_cast %swap3A_289 : vector<16xf32> to vector<16xf32>
    %swap3A_291 = vector.shape_cast %mul3A_287 : vector<16xf32> to vector<16xf32>
    tpu.vector_store %arg8[%swap3A_288], %swap3A_291 {strides = array<i32>} : memref<512xf32, #tpu.memory_space<vmem>>, vector<16xf32>,
    %get3A_292 = arith.constant 192 : index
    %get3A_293 = tpu.vector_load %arg8[%get3A_292] {strides = array<i32>} : memref<512xf32, #tpu.memory_space<vmem>>, vector<16xf32>,
    %get3A_294 = vector.shape_cast %get3A_293 : vector<16xf32> to vector<16xf32>
    %mul3A_295 = arith.mulf %get3A_294, %get3A_124 : vector<16xf32>
    %swap3A_296 = arith.constant 192 : index
    %swap3A_297 = tpu.vector_load %arg8[%swap3A_296] {strides = array<i32>} : memref<512xf32, #tpu.memory_space<vmem>>, vector<16xf32>,
    %swap3A_298 = vector.shape_cast %swap3A_297 : vector<16xf32> to vector<16xf32>
    %swap3A_299 = vector.shape_cast %mul3A_295 : vector<16xf32> to vector<16xf32>
    tpu.vector_store %arg8[%swap3A_296], %swap3A_299 {strides = array<i32>} : memref<512xf32, #tpu.memory_space<vmem>>, vector<16xf32>,
    %get3A_300 = arith.constant 208 : index
    %get3A_301 = tpu.vector_load %arg8[%get3A_300] {strides = array<i32>} : memref<512xf32, #tpu.memory_space<vmem>>, vector<16xf32>,
    %get3A_302 = vector.shape_cast %get3A_301 : vector<16xf32> to vector<16xf32>
    %mul3A_303 = arith.mulf %get3A_302, %get3A_124 : vector<16xf32>
    %swap3A_304 = arith.constant 208 : index
    %swap3A_305 = tpu.vector_load %arg8[%swap3A_304] {strides = array<i32>} : memref<512xf32, #tpu.memory_space<vmem>>, vector<16xf32>,
    %swap3A_306 = vector.shape_cast %swap3A_305 : vector<16xf32> to vector<16xf32>
    %swap3A_307 = vector.shape_cast %mul3A_303 : vector<16xf32> to vector<16xf32>
    tpu.vector_store %arg8[%swap3A_304], %swap3A_307 {strides = array<i32>} : memref<512xf32, #tpu.memory_space<vmem>>, vector<16xf32>,
    %get3A_308 = arith.constant 224 : index
    %get3A_309 = tpu.vector_load %arg8[%get3A_308] {strides = array<i32>} : memref<512xf32, #tpu.memory_space<vmem>>, vector<16xf32>,
    %get3A_310 = vector.shape_cast %get3A_309 : vector<16xf32> to vector<16xf32>
    %mul3A_311 = arith.mulf %get3A_310, %get3A_124 : vector<16xf32>
    %swap3A_312 = arith.constant 224 : index
    %swap3A_313 = tpu.vector_load %arg8[%swap3A_312] {strides = array<i32>} : memref<512xf32, #tpu.memory_space<vmem>>, vector<16xf32>,
    %swap3A_314 = vector.shape_cast %swap3A_313 : vector<16xf32> to vector<16xf32>
    %swap3A_315 = vector.shape_cast %mul3A_311 : vector<16xf32> to vector<16xf32>
    tpu.vector_store %arg8[%swap3A_312], %swap3A_315 {strides = array<i32>} : memref<512xf32, #tpu.memory_space<vmem>>, vector<16xf32>,
    %get3A_316 = arith.constant 240 : index
    %get3A_317 = tpu.vector_load %arg8[%get3A_316] {strides = array<i32>} : memref<512xf32, #tpu.memory_space<vmem>>, vector<16xf32>,
    %get3A_318 = vector.shape_cast %get3A_317 : vector<16xf32> to vector<16xf32>
    %mul3A_319 = arith.mulf %get3A_318, %get3A_124 : vector<16xf32>
    %swap3A_320 = arith.constant 240 : index
    %swap3A_321 = tpu.vector_load %arg8[%swap3A_320] {strides = array<i32>} : memref<512xf32, #tpu.memory_space<vmem>>, vector<16xf32>,
    %swap3A_322 = vector.shape_cast %swap3A_321 : vector<16xf32> to vector<16xf32>
    %swap3A_323 = vector.shape_cast %mul3A_319 : vector<16xf32> to vector<16xf32>
    tpu.vector_store %arg8[%swap3A_320], %swap3A_323 {strides = array<i32>} : memref<512xf32, #tpu.memory_space<vmem>>, vector<16xf32>,
    %get3A_324 = arith.constant 256 : index
    %get3A_325 = tpu.vector_load %arg8[%get3A_324] {strides = array<i32>} : memref<512xf32, #tpu.memory_space<vmem>>, vector<16xf32>,
    %get3A_326 = vector.shape_cast %get3A_325 : vector<16xf32> to vector<16xf32>
    %mul3A_327 = arith.mulf %get3A_326, %get3A_124 : vector<16xf32>
    %swap3A_328 = arith.constant 256 : index
    %swap3A_329 = tpu.vector_load %arg8[%swap3A_328] {strides = array<i32>} : memref<512xf32, #tpu.memory_space<vmem>>, vector<16xf32>,
    %swap3A_330 = vector.shape_cast %swap3A_329 : vector<16xf32> to vector<16xf32>
    %swap3A_331 = vector.shape_cast %mul3A_327 : vector<16xf32> to vector<16xf32>
    tpu.vector_store %arg8[%swap3A_328], %swap3A_331 {strides = array<i32>} : memref<512xf32, #tpu.memory_space<vmem>>, vector<16xf32>,
    %get3A_332 = arith.constant 272 : index
    %get3A_333 = tpu.vector_load %arg8[%get3A_332] {strides = array<i32>} : memref<512xf32, #tpu.memory_space<vmem>>, vector<16xf32>,
    %get3A_334 = vector.shape_cast %get3A_333 : vector<16xf32> to vector<16xf32>
    %mul3A_335 = arith.mulf %get3A_334, %get3A_124 : vector<16xf32>
    %swap3A_336 = arith.constant 272 : index
    %swap3A_337 = tpu.vector_load %arg8[%swap3A_336] {strides = array<i32>} : memref<512xf32, #tpu.memory_space<vmem>>, vector<16xf32>,
    %swap3A_338 = vector.shape_cast %swap3A_337 : vector<16xf32> to vector<16xf32>
    %swap3A_339 = vector.shape_cast %mul3A_335 : vector<16xf32> to vector<16xf32>
    tpu.vector_store %arg8[%swap3A_336], %swap3A_339 {strides = array<i32>} : memref<512xf32, #tpu.memory_space<vmem>>, vector<16xf32>,
    %get3A_340 = arith.constant 288 : index
    %get3A_341 = tpu.vector_load %arg8[%get3A_340] {strides = array<i32>} : memref<512xf32, #tpu.memory_space<vmem>>, vector<16xf32>,
    %get3A_342 = vector.shape_cast %get3A_341 : vector<16xf32> to vector<16xf32>
    %mul3A_343 = arith.mulf %get3A_342, %get3A_124 : vector<16xf32>
    %swap3A_344 = arith.constant 288 : index
    %swap3A_345 = tpu.vector_load %arg8[%swap3A_344] {strides = array<i32>} : memref<512xf32, #tpu.memory_space<vmem>>, vector<16xf32>,
    %swap3A_346 = vector.shape_cast %swap3A_345 : vector<16xf32> to vector<16xf32>
    %swap3A_347 = vector.shape_cast %mul3A_343 : vector<16xf32> to vector<16xf32>
    tpu.vector_store %arg8[%swap3A_344], %swap3A_347 {strides = array<i32>} : memref<512xf32, #tpu.memory_space<vmem>>, vector<16xf32>,
    %get3A_348 = arith.constant 304 : index
    %get3A_349 = tpu.vector_load %arg8[%get3A_348] {strides = array<i32>} : memref<512xf32, #tpu.memory_space<vmem>>, vector<16xf32>,
    %get3A_350 = vector.shape_cast %get3A_349 : vector<16xf32> to vector<16xf32>
    %mul3A_351 = arith.mulf %get3A_350, %get3A_124 : vector<16xf32>
    %swap3A_352 = arith.constant 304 : index
    %swap3A_353 = tpu.vector_load %arg8[%swap3A_352] {strides = array<i32>} : memref<512xf32, #tpu.memory_space<vmem>>, vector<16xf32>,
    %swap3A_354 = vector.shape_cast %swap3A_353 : vector<16xf32> to vector<16xf32>
    %swap3A_355 = vector.shape_cast %mul3A_351 : vector<16xf32> to vector<16xf32>
    tpu.vector_store %arg8[%swap3A_352], %swap3A_355 {strides = array<i32>} : memref<512xf32, #tpu.memory_space<vmem>>, vector<16xf32>,
    %get3A_356 = arith.constant 320 : index
    %get3A_357 = tpu.vector_load %arg8[%get3A_356] {strides = array<i32>} : memref<512xf32, #tpu.memory_space<vmem>>, vector<16xf32>,
    %get3A_358 = vector.shape_cast %get3A_357 : vector<16xf32> to vector<16xf32>
    %mul3A_359 = arith.mulf %get3A_358, %get3A_124 : vector<16xf32>
    %swap3A_360 = arith.constant 320 : index
    %swap3A_361 = tpu.vector_load %arg8[%swap3A_360] {strides = array<i32>} : memref<512xf32, #tpu.memory_space<vmem>>, vector<16xf32>,
    %swap3A_362 = vector.shape_cast %swap3A_361 : vector<16xf32> to vector<16xf32>
    %swap3A_363 = vector.shape_cast %mul3A_359 : vector<16xf32> to vector<16xf32>
    tpu.vector_store %arg8[%swap3A_360], %swap3A_363 {strides = array<i32>} : memref<512xf32, #tpu.memory_space<vmem>>, vector<16xf32>,
    %get3A_364 = arith.constant 336 : index
    %get3A_365 = tpu.vector_load %arg8[%get3A_364] {strides = array<i32>} : memref<512xf32, #tpu.memory_space<vmem>>, vector<16xf32>,
    %get3A_366 = vector.shape_cast %get3A_365 : vector<16xf32> to vector<16xf32>
    %mul3A_367 = arith.mulf %get3A_366, %get3A_124 : vector<16xf32>
    %swap3A_368 = arith.constant 336 : index
    %swap3A_369 = tpu.vector_load %arg8[%swap3A_368] {strides = array<i32>} : memref<512xf32, #tpu.memory_space<vmem>>, vector<16xf32>,
    %swap3A_370 = vector.shape_cast %swap3A_369 : vector<16xf32> to vector<16xf32>
    %swap3A_371 = vector.shape_cast %mul3A_367 : vector<16xf32> to vector<16xf32>
    tpu.vector_store %arg8[%swap3A_368], %swap3A_371 {strides = array<i32>} : memref<512xf32, #tpu.memory_space<vmem>>, vector<16xf32>,
    %get3A_372 = arith.constant 352 : index
    %get3A_373 = tpu.vector_load %arg8[%get3A_372] {strides = array<i32>} : memref<512xf32, #tpu.memory_space<vmem>>, vector<16xf32>,
    %get3A_374 = vector.shape_cast %get3A_373 : vector<16xf32> to vector<16xf32>
    %mul3A_375 = arith.mulf %get3A_374, %get3A_124 : vector<16xf32>
    %swap3A_376 = arith.constant 352 : index
    %swap3A_377 = tpu.vector_load %arg8[%swap3A_376] {strides = array<i32>} : memref<512xf32, #tpu.memory_space<vmem>>, vector<16xf32>,
    %swap3A_378 = vector.shape_cast %swap3A_377 : vector<16xf32> to vector<16xf32>
    %swap3A_379 = vector.shape_cast %mul3A_375 : vector<16xf32> to vector<16xf32>
    tpu.vector_store %arg8[%swap3A_376], %swap3A_379 {strides = array<i32>} : memref<512xf32, #tpu.memory_space<vmem>>, vector<16xf32>,
    %get3A_380 = arith.constant 368 : index
    %get3A_381 = tpu.vector_load %arg8[%get3A_380] {strides = array<i32>} : memref<512xf32, #tpu.memory_space<vmem>>, vector<16xf32>,
    %get3A_382 = vector.shape_cast %get3A_381 : vector<16xf32> to vector<16xf32>
    %mul3A_383 = arith.mulf %get3A_382, %get3A_124 : vector<16xf32>
    %swap3A_384 = arith.constant 368 : index
    %swap3A_385 = tpu.vector_load %arg8[%swap3A_384] {strides = array<i32>} : memref<512xf32, #tpu.memory_space<vmem>>, vector<16xf32>,
    %swap3A_386 = vector.shape_cast %swap3A_385 : vector<16xf32> to vector<16xf32>
    %swap3A_387 = vector.shape_cast %mul3A_383 : vector<16xf32> to vector<16xf32>
    tpu.vector_store %arg8[%swap3A_384], %swap3A_387 {strides = array<i32>} : memref<512xf32, #tpu.memory_space<vmem>>, vector<16xf32>,
    %get3A_388 = arith.constant 384 : index
    %get3A_389 = tpu.vector_load %arg8[%get3A_388] {strides = array<i32>} : memref<512xf32, #tpu.memory_space<vmem>>, vector<16xf32>,
    %get3A_390 = vector.shape_cast %get3A_389 : vector<16xf32> to vector<16xf32>
    %mul3A_391 = arith.mulf %get3A_390, %get3A_124 : vector<16xf32>
    %swap3A_392 = arith.constant 384 : index
    %swap3A_393 = tpu.vector_load %arg8[%swap3A_392] {strides = array<i32>} : memref<512xf32, #tpu.memory_space<vmem>>, vector<16xf32>,
    %swap3A_394 = vector.shape_cast %swap3A_393 : vector<16xf32> to vector<16xf32>
    %swap3A_395 = vector.shape_cast %mul3A_391 : vector<16xf32> to vector<16xf32>
    tpu.vector_store %arg8[%swap3A_392], %swap3A_395 {strides = array<i32>} : memref<512xf32, #tpu.memory_space<vmem>>, vector<16xf32>,
    %get3A_396 = arith.constant 400 : index
    %get3A_397 = tpu.vector_load %arg8[%get3A_396] {strides = array<i32>} : memref<512xf32, #tpu.memory_space<vmem>>, vector<16xf32>,
    %get3A_398 = vector.shape_cast %get3A_397 : vector<16xf32> to vector<16xf32>
    %mul3A_399 = arith.mulf %get3A_398, %get3A_124 : vector<16xf32>
    %swap3A_400 = arith.constant 400 : index
    %swap3A_401 = tpu.vector_load %arg8[%swap3A_400] {strides = array<i32>} : memref<512xf32, #tpu.memory_space<vmem>>, vector<16xf32>,
    %swap3A_402 = vector.shape_cast %swap3A_401 : vector<16xf32> to vector<16xf32>
    %swap3A_403 = vector.shape_cast %mul3A_399 : vector<16xf32> to vector<16xf32>
    tpu.vector_store %arg8[%swap3A_400], %swap3A_403 {strides = array<i32>} : memref<512xf32, #tpu.memory_space<vmem>>, vector<16xf32>,
    %get3A_404 = arith.constant 416 : index
    %get3A_405 = tpu.vector_load %arg8[%get3A_404] {strides = array<i32>} : memref<512xf32, #tpu.memory_space<vmem>>, vector<16xf32>,
    %get3A_406 = vector.shape_cast %get3A_405 : vector<16xf32> to vector<16xf32>
    %mul3A_407 = arith.mulf %get3A_406, %get3A_124 : vector<16xf32>
    %swap3A_408 = arith.constant 416 : index
    %swap3A_409 = tpu.vector_load %arg8[%swap3A_408] {strides = array<i32>} : memref<512xf32, #tpu.memory_space<vmem>>, vector<16xf32>,
    %swap3A_410 = vector.shape_cast %swap3A_409 : vector<16xf32> to vector<16xf32>
    %swap3A_411 = vector.shape_cast %mul3A_407 : vector<16xf32> to vector<16xf32>
    tpu.vector_store %arg8[%swap3A_408], %swap3A_411 {strides = array<i32>} : memref<512xf32, #tpu.memory_space<vmem>>, vector<16xf32>,
    %get3A_412 = arith.constant 432 : index
    %get3A_413 = tpu.vector_load %arg8[%get3A_412] {strides = array<i32>} : memref<512xf32, #tpu.memory_space<vmem>>, vector<16xf32>,
    %get3A_414 = vector.shape_cast %get3A_413 : vector<16xf32> to vector<16xf32>
    %mul3A_415 = arith.mulf %get3A_414, %get3A_124 : vector<16xf32>
    %swap3A_416 = arith.constant 432 : index
    %swap3A_417 = tpu.vector_load %arg8[%swap3A_416] {strides = array<i32>} : memref<512xf32, #tpu.memory_space<vmem>>, vector<16xf32>,
    %swap3A_418 = vector.shape_cast %swap3A_417 : vector<16xf32> to vector<16xf32>
    %swap3A_419 = vector.shape_cast %mul3A_415 : vector<16xf32> to vector<16xf32>
    tpu.vector_store %arg8[%swap3A_416], %swap3A_419 {strides = array<i32>} : memref<512xf32, #tpu.memory_space<vmem>>, vector<16xf32>,
    %get3A_420 = arith.constant 448 : index
    %get3A_421 = tpu.vector_load %arg8[%get3A_420] {strides = array<i32>} : memref<512xf32, #tpu.memory_space<vmem>>, vector<16xf32>,
    %get3A_422 = vector.shape_cast %get3A_421 : vector<16xf32> to vector<16xf32>
    %mul3A_423 = arith.mulf %get3A_422, %get3A_124 : vector<16xf32>
    %swap3A_424 = arith.constant 448 : index
    %swap3A_425 = tpu.vector_load %arg8[%swap3A_424] {strides = array<i32>} : memref<512xf32, #tpu.memory_space<vmem>>, vector<16xf32>,
    %swap3A_426 = vector.shape_cast %swap3A_425 : vector<16xf32> to vector<16xf32>
    %swap3A_427 = vector.shape_cast %mul3A_423 : vector<16xf32> to vector<16xf32>
    tpu.vector_store %arg8[%swap3A_424], %swap3A_427 {strides = array<i32>} : memref<512xf32, #tpu.memory_space<vmem>>, vector<16xf32>,
    %get3A_428 = arith.constant 464 : index
    %get3A_429 = tpu.vector_load %arg8[%get3A_428] {strides = array<i32>} : memref<512xf32, #tpu.memory_space<vmem>>, vector<16xf32>,
    %get3A_430 = vector.shape_cast %get3A_429 : vector<16xf32> to vector<16xf32>
    %mul3A_431 = arith.mulf %get3A_430, %get3A_124 : vector<16xf32>
    %swap3A_432 = arith.constant 464 : index
    %swap3A_433 = tpu.vector_load %arg8[%swap3A_432] {strides = array<i32>} : memref<512xf32, #tpu.memory_space<vmem>>, vector<16xf32>,
    %swap3A_434 = vector.shape_cast %swap3A_433 : vector<16xf32> to vector<16xf32>
    %swap3A_435 = vector.shape_cast %mul3A_431 : vector<16xf32> to vector<16xf32>
    tpu.vector_store %arg8[%swap3A_432], %swap3A_435 {strides = array<i32>} : memref<512xf32, #tpu.memory_space<vmem>>, vector<16xf32>,
    %get3A_436 = arith.constant 480 : index
    %get3A_437 = tpu.vector_load %arg8[%get3A_436] {strides = array<i32>} : memref<512xf32, #tpu.memory_space<vmem>>, vector<16xf32>,
    %get3A_438 = vector.shape_cast %get3A_437 : vector<16xf32> to vector<16xf32>
    %mul3A_439 = arith.mulf %get3A_438, %get3A_124 : vector<16xf32>
    %swap3A_440 = arith.constant 480 : index
    %swap3A_441 = tpu.vector_load %arg8[%swap3A_440] {strides = array<i32>} : memref<512xf32, #tpu.memory_space<vmem>>, vector<16xf32>,
    %swap3A_442 = vector.shape_cast %swap3A_441 : vector<16xf32> to vector<16xf32>
    %swap3A_443 = vector.shape_cast %mul3A_439 : vector<16xf32> to vector<16xf32>
    tpu.vector_store %arg8[%swap3A_440], %swap3A_443 {strides = array<i32>} : memref<512xf32, #tpu.memory_space<vmem>>, vector<16xf32>,
    %get3A_444 = arith.constant 496 : index
    %get3A_445 = tpu.vector_load %arg8[%get3A_444] {strides = array<i32>} : memref<512xf32, #tpu.memory_space<vmem>>, vector<16xf32>,
    %get3A_446 = vector.shape_cast %get3A_445 : vector<16xf32> to vector<16xf32>
    %mul3A_447 = arith.mulf %get3A_446, %get3A_124 : vector<16xf32>
    %swap3A_448 = arith.constant 496 : index
    %swap3A_449 = tpu.vector_load %arg8[%swap3A_448] {strides = array<i32>} : memref<512xf32, #tpu.memory_space<vmem>>, vector<16xf32>,
    %swap3A_450 = vector.shape_cast %swap3A_449 : vector<16xf32> to vector<16xf32>
    %swap3A_451 = vector.shape_cast %mul3A_447 : vector<16xf32> to vector<16xf32>
    tpu.vector_store %arg8[%swap3A_448], %swap3A_451 {strides = array<i32>} : memref<512xf32, #tpu.memory_space<vmem>>, vector<16xf32>,
    %jit3A = arith.constant 2048 : i32
    %div3A = arith.divsi %mul3A_122, %jit3A : i32
    %sign3A = arith.constant 0 : i32
    %sign3A_452 = arith.cmpi sgt, %mul3A_122, %sign3A : i32
    %sign3A_453 = arith.extui %sign3A_452 : i1 to i32
    %sign3A_454 = arith.constant 0 : i32
    %sign3A_455 = arith.cmpi slt, %mul3A_122, %sign3A_454 : i32
    %sign3A_456 = arith.extui %sign3A_455 : i1 to i32
    %sign3A_457 = arith.subi %sign3A_453, %sign3A_456 : i32
    %sign3A_458 = arith.constant 0 : i32
    %sign3A_459 = arith.cmpi sgt, %jit3A, %sign3A_458 : i32
    %sign3A_460 = arith.extui %sign3A_459 : i1 to i32
    %sign3A_461 = arith.constant 0 : i32
    %sign3A_462 = arith.cmpi slt, %jit3A, %sign3A_461 : i32
    %sign3A_463 = arith.extui %sign3A_462 : i1 to i32
    %sign3A_464 = arith.subi %sign3A_460, %sign3A_463 : i32
    %ne3A = arith.cmpi ne, %sign3A_457, %sign3A_464 : i32
    %rem3A = arith.remsi %mul3A_122, %jit3A : i32
    %ne3A_465 = arith.constant 0 : i32
    %ne3A_466 = arith.cmpi ne, %rem3A, %ne3A_465 : i32
    %and3A = arith.andi %ne3A, %ne3A_466 : i1
    %sub3A = arith.constant 1 : i32
    %sub3A_467 = arith.subi %div3A, %sub3A : i32
    %select_n3A = arith.select %and3A, %sub3A_467, %div3A : i32
    %jit3A_468 = arith.constant 2048 : i32
    %eq3A_469 = arith.constant 0 : i32
    %eq3A_470 = arith.cmpi eq, %jit3A_468, %eq3A_469 : i32
    %jit3A_471 = arith.constant 1 : i32
    %select_n3A_472 = arith.select %eq3A_470, %jit3A_471, %jit3A_468 : i32
    %rem3A_473 = arith.remsi %mul3A_122, %select_n3A_472 : i32
    %ne3A_474 = arith.constant 0 : i32
    %ne3A_475 = arith.cmpi ne, %rem3A_473, %ne3A_474 : i32
    %lt3A = arith.constant 0 : i32
    %lt3A_476 = arith.cmpi slt, %rem3A_473, %lt3A : i32
    %lt3A_477 = arith.constant 0 : i32
    %lt3A_478 = arith.cmpi slt, %select_n3A_472, %lt3A_477 : i32
    %ne3A_479 = arith.xori %lt3A_476, %lt3A_478 : i1
    %and3A_480 = arith.andi %ne3A_479, %ne3A_475 : i1
    %add3A_481 = arith.addi %rem3A_473, %select_n3A_472 : i32
    %select_n3A_482 = arith.select %and3A_480, %add3A_481, %rem3A_473 : i32
    %run_scoped3A = arith.constant 0 : i32
    "tpu.region"() ({
      %run_scoped3A_483 = tpu.sem_alloc : memref<!tpu.dma_semaphore, #tpu.memory_space<semaphore_mem>>
      %dma_start3A_484 = tpu.memref_slice %arg3[%select_n3A, %run_scoped3A, %select_n3A_482] : memref<8x1x2048xf32, #tpu.memory_space<hbm>> -> memref<1x1x512xf32, #tpu.memory_space<hbm>>
      %dma_start3A_485 = tpu.memref_squeeze %dma_start3A_484 : memref<1x1x512xf32, #tpu.memory_space<hbm>> -> memref<512xf32, #tpu.memory_space<hbm>>
      %dma_start3A_486 = tpu.memref_slice %arg3[%select_n3A, %run_scoped3A, %select_n3A_482] : memref<8x1x2048xf32, #tpu.memory_space<hbm>> -> memref<1x1x512xf32, #tpu.memory_space<hbm>>
      %dma_start3A_487 = tpu.memref_squeeze %dma_start3A_486 : memref<1x1x512xf32, #tpu.memory_space<hbm>> -> memref<512xf32, #tpu.memory_space<hbm>>
      tpu.enqueue_dma source(%arg8 : memref<512xf32, #tpu.memory_space<vmem>>) target(%dma_start3A_487 : memref<512xf32, #tpu.memory_space<hbm>>) target_semaphore(%run_scoped3A_483 : memref<!tpu.dma_semaphore, #tpu.memory_space<semaphore_mem>>)
      %dma_wait3A_488 = tpu.memref_slice %arg3[%select_n3A, %run_scoped3A, %select_n3A_482] : memref<8x1x2048xf32, #tpu.memory_space<hbm>> -> memref<1x1x512xf32, #tpu.memory_space<hbm>>
      %dma_wait3A_489 = tpu.memref_squeeze %dma_wait3A_488 : memref<1x1x512xf32, #tpu.memory_space<hbm>> -> memref<512xf32, #tpu.memory_space<hbm>>
      %dma_wait3A_490 = tpu.memref_slice %arg3[%select_n3A, %run_scoped3A, %select_n3A_482] : memref<8x1x2048xf32, #tpu.memory_space<hbm>> -> memref<1x1x512xf32, #tpu.memory_space<hbm>>
      %dma_wait3A_491 = tpu.memref_squeeze %dma_wait3A_490 : memref<1x1x512xf32, #tpu.memory_space<hbm>> -> memref<512xf32, #tpu.memory_space<hbm>>
      tpu.wait_dma2 semaphore(%run_scoped3A_483 : memref<!tpu.dma_semaphore, #tpu.memory_space<semaphore_mem>>) src(%arg8 : memref<512xf32, #tpu.memory_space<vmem>>) dst(%dma_wait3A_491 : memref<512xf32, #tpu.memory_space<hbm>>)
      tpu.yield
    }) : () -> ()
    return
  }
}

module attributes {stable_mosaic.version = 14 : i64} {
  func.func @_tc_body(%arg0: i32, %arg1: memref<1x1x2048xi32, #tpu.memory_space<vmem>>, %arg2: memref<1x1x2048xf32, #tpu.memory_space<vmem>>, %arg3: memref<2048x1000xf32, #tpu.memory_space<vmem>>, %arg4: memref<1x1xf32, #tpu.memory_space<smem>>, %arg5: memref<1x1xf32, #tpu.memory_space<smem>>) attributes {dimension_semantics = [#tpu.dimension_semantics<arbitrary>], iteration_bounds = array<i64: 8>, scalar_prefetch = 0 : i64, scratch_operands = 1 : i64, tpu.core_type = #tpu.core_type<tc>, window_params = [{transform_indices = @transform_0, window_bounds = array<i64: 1, 1, 2048>}, {transform_indices = @transform_1, window_bounds = array<i64: 1, 1, 2048>}, {transform_indices = @transform_2, window_bounds = array<i64: 2048, 1000>}, {transform_indices = @transform_3, window_bounds = array<i64: 1, 1>}]} {
    %get3A = arith.constant 0 : index
    %get3A_0 = arith.constant 0 : index
    %get3A_1 = vector.load %arg3[%get3A, %get3A_0] : memref<2048x1000xf32, #tpu.memory_space<vmem>>, vector<2048x1000xf32>
    %get3A_2 = arith.constant 0 : index
    %get3A_3 = arith.constant 0 : index
    %get3A_4 = arith.constant 0 : index
    %get3A_5 = vector.load %arg1[%get3A_2, %get3A_3, %get3A_4] : memref<1x1x2048xi32, #tpu.memory_space<vmem>>, vector<1x1x2048xi32>
    %get3A_6 = vector.shape_cast %get3A_5 : vector<1x1x2048xi32> to vector<2048xi32>
    %get3A_7 = arith.constant 0 : index
    %get3A_8 = arith.constant 0 : index
    %get3A_9 = arith.constant 0 : index
    %get3A_10 = vector.load %arg2[%get3A_7, %get3A_8, %get3A_9] : memref<1x1x2048xf32, #tpu.memory_space<vmem>>, vector<1x1x2048xf32>
    %get3A_11 = vector.shape_cast %get3A_10 : vector<1x1x2048xf32> to vector<2048xf32>
    %reduce_max3A = arith.constant dense<0xFF800000> : vector<2048xf32>
    %reduce_max3A_12 = vector.multi_reduction <maximumf>, %get3A_1, %reduce_max3A [1] : vector<2048x1000xf32> to vector<2048xf32>
    %broadcast_in_dim3A = vector.shape_cast %reduce_max3A_12 : vector<2048xf32> to vector<2048x1xf32>
    %sub3A = vector.broadcast %broadcast_in_dim3A : vector<2048x1xf32> to vector<2048x1000xf32>
    %sub3A_13 = arith.subf %get3A_1, %sub3A : vector<2048x1000xf32>
    %exp3A = math.exp %sub3A_13 : vector<2048x1000xf32>
    %reduce_sum3A = arith.constant dense<0.000000e+00> : vector<2048xf32>
    %reduce_sum3A_14 = vector.multi_reduction <add>, %exp3A, %reduce_sum3A [1] : vector<2048x1000xf32> to vector<2048xf32>
    %squeeze3A = vector.shape_cast %broadcast_in_dim3A : vector<2048x1xf32> to vector<2048xf32>
    %log3A = math.log %reduce_sum3A_14 : vector<2048xf32>
    %add3A = arith.addf %squeeze3A, %log3A : vector<2048xf32>
    %iota3A = tpu.iota {dimensions = array<i32: 1>} : vector<2048x1000xi32>
    %broadcast_in_dim3A_15 = vector.shape_cast %get3A_6 : vector<2048xi32> to vector<2048x1xi32>
    %eq3A = vector.broadcast %broadcast_in_dim3A_15 : vector<2048x1xi32> to vector<2048x1000xi32>
    %eq3A_16 = arith.cmpi eq, %iota3A, %eq3A : vector<2048x1000xi32>
    %jit3A = arith.constant 0.000000e+00 : f32
    %broadcast_in_dim3A_17 = vector.broadcast %jit3A : f32 to vector<2048x1000xf32>
    %select_n3A = arith.select %eq3A_16, %get3A_1, %broadcast_in_dim3A_17 : vector<2048x1000xi1>, vector<2048x1000xf32>
    %reduce_sum3A_18 = arith.constant dense<0.000000e+00> : vector<2048xf32>
    %reduce_sum3A_19 = vector.multi_reduction <add>, %select_n3A, %reduce_sum3A_18 [1] : vector<2048x1000xf32> to vector<2048xf32>
    %sub3A_20 = arith.subf %add3A, %reduce_sum3A_19 : vector<2048xf32>
    %mul3A = arith.mulf %sub3A_20, %get3A_11 : vector<2048xf32>
    %reduce_sum3A_21 = vector.shape_cast %mul3A : vector<2048xf32> to vector<1x2048xf32>
    %reduce_sum3A_22 = arith.constant dense<0.000000e+00> : vector<1xf32>
    %reduce_sum3A_23 = vector.multi_reduction <add>, %reduce_sum3A_21, %reduce_sum3A_22 [1] : vector<1x2048xf32> to vector<1xf32>
    %reduce_sum3A_24 = vector.shape_cast %reduce_sum3A_23 : vector<1xf32> to vector<1x1xf32>
    %reduce_sum3A_25 = vector.extract %reduce_sum3A_24[0, 0] : f32 from vector<1x1xf32>
    %eq3A_26 = arith.constant 0 : i32
    %eq3A_27 = arith.cmpi eq, %arg0, %eq3A_26 : i32
    %convert_element_type3A = arith.extui %eq3A_27 : i1 to i32
    %cond3A = arith.constant 0 : i32
    %cond3A_28 = arith.cmpi ne, %convert_element_type3A, %cond3A : i32
    scf.if %cond3A_28 {
      %swap3A = arith.constant 0 : index
      %swap3A_38 = arith.constant 0 : index
      %swap3A_39 = memref.load %arg5[%swap3A, %swap3A_38] : memref<1x1xf32, #tpu.memory_space<smem>>
      memref.store %reduce_sum3A_25, %arg5[%swap3A, %swap3A_38] : memref<1x1xf32, #tpu.memory_space<smem>>
    } else {
    }
    %gt3A = arith.constant 0 : i32
    %gt3A_29 = arith.cmpi sgt, %arg0, %gt3A : i32
    %convert_element_type3A_30 = arith.extui %gt3A_29 : i1 to i32
    %cond3A_31 = arith.constant 0 : i32
    %cond3A_32 = arith.cmpi ne, %convert_element_type3A_30, %cond3A_31 : i32
    scf.if %cond3A_32 {
      %get3A_38 = arith.constant 0 : index
      %get3A_39 = arith.constant 0 : index
      %get3A_40 = memref.load %arg5[%get3A_38, %get3A_39] : memref<1x1xf32, #tpu.memory_space<smem>>
      %add3A_41 = arith.addf %get3A_40, %reduce_sum3A_25 : f32
      %swap3A = arith.constant 0 : index
      %swap3A_42 = arith.constant 0 : index
      %swap3A_43 = memref.load %arg5[%swap3A, %swap3A_42] : memref<1x1xf32, #tpu.memory_space<smem>>
      memref.store %add3A_41, %arg5[%swap3A, %swap3A_42] : memref<1x1xf32, #tpu.memory_space<smem>>
    } else {
    }
    %eq3A_33 = arith.constant 7 : i32
    %eq3A_34 = arith.cmpi eq, %arg0, %eq3A_33 : i32
    %convert_element_type3A_35 = arith.extui %eq3A_34 : i1 to i32
    %cond3A_36 = arith.constant 0 : i32
    %cond3A_37 = arith.cmpi ne, %convert_element_type3A_35, %cond3A_36 : i32
    scf.if %cond3A_37 {
      %get3A_38 = arith.constant 0 : index
      %get3A_39 = arith.constant 0 : index
      %get3A_40 = memref.load %arg5[%get3A_38, %get3A_39] : memref<1x1xf32, #tpu.memory_space<smem>>
      %div3A = arith.constant 1.638400e+04 : f32
      %div3A_41 = arith.divf %get3A_40, %div3A : f32
      %swap3A = arith.constant 0 : index
      %swap3A_42 = arith.constant 0 : index
      %swap3A_43 = memref.load %arg4[%swap3A, %swap3A_42] : memref<1x1xf32, #tpu.memory_space<smem>>
      memref.store %div3A_41, %arg4[%swap3A, %swap3A_42] : memref<1x1xf32, #tpu.memory_space<smem>>
    } else {
    }
    return
  }
  func.func @transform_0(%arg0: i32) -> (i32, i32, i32) {
    %c0_i32 = arith.constant 0 : i32
    %c0_i32_0 = arith.constant 0 : i32
    %c0_i32_1 = arith.constant 0 : i32
    return %arg0, %c0_i32, %c0_i32_0 : i32, i32, i32
  }
  func.func @transform_1(%arg0: i32) -> (i32, i32, i32) {
    %c0_i32 = arith.constant 0 : i32
    %c0_i32_0 = arith.constant 0 : i32
    %c0_i32_1 = arith.constant 0 : i32
    return %arg0, %c0_i32, %c0_i32_0 : i32, i32, i32
  }
  func.func @transform_2(%arg0: i32) -> (i32, i32) {
    %c0_i32 = arith.constant 0 : i32
    %c0_i32_0 = arith.constant 0 : i32
    return %arg0, %c0_i32 : i32, i32
  }
  func.func @transform_3(%arg0: i32) -> (i32, i32) {
    %c0_i32 = arith.constant 0 : i32
    %c0_i32_0 = arith.constant 0 : i32
    %c0_i32_1 = arith.constant 0 : i32
    return %c0_i32, %c0_i32_0 : i32, i32
  }
}

</mosaic_0001>

<sc_bundles>
// kernel: kernel.4.cloned.1.call-start
scs
__scs_entry_jumppad:
0x0: {  	(pc) =	sbr.rel $0x88, $3  }
0x1: {  	(tag) =	ssettag $0x0;
	lr =	simm.s32 $0x1  }
0x2: {  	[smem:$0x3F9F] =	sst lr;
	_ =	strace $0xD0000000  }
0x3: {  	_ = 	snop  }
0x4: {  	_ = 	snop  }
0x5: {  	_ = 	snop  }
0x6: {  	_ = 	snop  }
0x7: {  	_ = 	snop  }
__scs_overlays_trampoline_lowered:
0x8: {  	[smem:$0x3FAE] =	sst s0  }
0x9: {  	[smem:$0x3FAF] =	sst s1  }
0xa: {  	[smem:$0x3FB0] =	sst s2  }
0xb: {  	[smem:$0x3FB1] =	sst s3  }
0xc: {  	[smem:$0x3FB2] =	sst s4  }
0xd: {  	[smem:$0x3FB3] =	sst s5  }
0xe: {  	[smem:$0x3FB4] =	sst s6  }
0xf: {  	[smem:$0x3FB5] =	sst s7  }
0x10: {  	[smem:$0x3FB6] =	sst s8  }
0x11: {  	[smem:$0x3FB7] =	sst s9;
	s0 =	simm.s32 @!p0 $0x0  }
0x12: {  	s1 =	sld [smem:$0x3F9D];
	s0 =	simm.s32 @p0 $0x1  }
0x13: {  	[smem:$0x3FB8] =	sst s0;
	s0 =	simm.s32 @!p1 $0x0  }
0x14: {  	s2 =	sld [smem:$0x3F9C];
	s0 =	simm.s32 @p1 $0x1  }
0x15: {  	[smem:$0x3FB9] =	sst s0;
	s0 =	simm.s32 @!p2 $0x0  }
0x16: {  	s3 =	sld [smem:$0x3FDB];
	s0 =	simm.s32 @p2 $0x1  }
0x17: {  	s4 =	simm.s32 $0x1BF5;
	[smem:$0x3FBB] =	sst s0  }
0x18: {  	s0 =	sld [smem:$0x3F9E];
	_ =	swait.ge [sflag:s4], $0x0  }
0x19: {  	s7 =	sld [smem:$0x3F9F]  }
0x1a: {  	s8 =	sadd.s32 $0xFFFFE003, lr  }
0x1b: {  	s9 =	sadd.s32 $0xFFFFFEF7, lr;
	s5 =	simm.s32 $0xFFFFFFFF;
	p2 =	slt.u32 s8, $0xFFFFF086  }
0x1c: {  	p1 =	slt.u32 s9, $0xF7A;
	s5 =	simm.s32 @!p2 $0x0  }
0x1d: {  	s5 =	simm.s32 @p1 $0x1;
	p0 =	seq.s32 s7, s2  }
0x1e: {  	s7 =	smul.u32 @!p0 $0xF7A, s2;
	p2 =	seq.s32 @!p0 s5, $0x0  }
0x1f: {  	s9 =	smul.u32 $0xF7A, s1;
	s8 =	simm.s32 @!p0 $0x1BF5;
	p2 =	por !p2, p0  }
0x20: {  	[sflag:s8] =	ssyncset.s32 @!p0 $0xFFFFF086;
	s6 =	sadd.s32 @!p0 s3, s7;
	s7 =	simm.s32 @!p0 $0x108  }
0x21: {  	s3 =	sadd.s32 s3, s9;
	s6 =	sadd.s32 @!p0 $0x88, s6;
	s7 =	simm.s32 @p2 $0x1082  }
0x22: {  	[simem:s7], [sflag:s8] =	dma.local @!p0 [hbm:s6], $0xF7A  }
0x23: {  	s9 =	sor.u32 $0xD0000000, s2;
	s6 =	simm.s32 $0x108;
	_ =	swait.ge @!p0 [sflag:s8], $0x0  }
0x24: {  	s3 =	sadd.s32 $0x88, s3;
	s6 =	simm.s32 @!p1 $0x1082;
	[sflag:s4] =	ssyncset.s32 $0xFFFFF086  }
0x25: {  	[simem:s6], [sflag:s4] =	dma.local [hbm:s3], $0xF7A  }
0x26: {  	[smem:$0x3F9F] =	sst s1;
	(tag) =	ssettag s2;
	_ =	strace s9  }
0x27: {  	s1 =	sld [smem:$0x3FAF]  }
0x28: {  	s2 =	sld [smem:$0x3FB0]  }
0x29: {  	s4 =	sld [smem:$0x3FB2]  }
0x2a: {  	p0 =	seq.s32 s5, $0x0;
	s5 =	sld [smem:$0x3FB3]  }
0x2b: {  	s6 =	sld [smem:$0x3FB4]  }
0x2c: {  	s7 =	sld [smem:$0x3FB5]  }
0x2d: {  	s3 =	simm.s32 $0x108;
	s8 =	sld [smem:$0x3FB6]  }
0x2e: {  	s3 =	simm.s32 @!p0 $0x1082;
	s9 =	sld [smem:$0x3FB7]  }
0x2f: {  	lr =	sadd.s32 s0, s3;
	s0 =	sld [smem:$0x3FAE]  }
0x30: {  	s3 =	sld [smem:$0x3FB1]  }
0x31: {  	[smem:$0x3FBA] =	sst s10  }
0x32: {  	s10 =	sld [smem:$0x3FB8];
	_ =	sdelay $0x3  }
0x33: {  	p0 =	seq.s32 s10, $0x1;
	s10 =	sld [smem:$0x3FBA];
	_ =	sdelay $0x3  }
0x34: {  	[smem:$0x3FBA] =	sst s10  }
0x35: {  	s10 =	sld [smem:$0x3FB9];
	_ =	sdelay $0x3  }
0x36: {  	p1 =	seq.s32 s10, $0x1;
	s10 =	sld [smem:$0x3FBA];
	_ =	sdelay $0x3  }
0x37: {  	[smem:$0x3FBA] =	sst s10  }
0x38: {  	s10 =	sld [smem:$0x3FBB]  }
0x39: {  	_ = 	snop;
	(pc) =	sbr.ind lr, $3  }
0x3a: {  	_ = 	snop  }
0x3b: {  	_ = 	snop  }
0x3c: {  	p2 =	seq.s32 s10, $0x1;
	s10 =	sld [smem:$0x3FBA]  }
0x3d: {  	_ =	shalt  }
0x3e: {  	_ =	shalt  }
0x3f: {  	_ =	shalt  }
0x40: {  	_ =	shalt  }
0x41: {  	_ =	shalt  }
0x42: {  	_ =	shalt  }
0x43: {  	_ =	shalt  }
0x44: {  	_ =	shalt  }
0x45: {  	_ =	shalt  }
0x46: {  	_ =	shalt  }
0x47: {  	_ =	shalt  }
0x48: {  	_ =	shalt  }
0x49: {  	_ =	shalt  }
0x4a: {  	_ =	shalt  }
0x4b: {  	_ =	shalt  }
0x4c: {  	_ =	shalt  }
0x4d: {  	_ =	shalt  }
0x4e: {  	_ =	shalt  }
0x4f: {  	_ =	shalt  }
0x50: {  	_ =	shalt  }
0x51: {  	_ =	shalt  }
0x52: {  	_ =	shalt  }
0x53: {  	_ =	shalt  }
0x54: {  	_ =	shalt  }
0x55: {  	_ =	shalt  }
0x56: {  	_ =	shalt  }
0x57: {  	_ =	shalt  }
0x58: {  	_ =	shalt  }
0x59: {  	_ =	shalt  }
0x5a: {  	_ =	shalt  }
0x5b: {  	_ =	shalt  }
0x5c: {  	_ =	shalt  }
0x5d: {  	_ =	shalt  }
0x5e: {  	_ =	shalt  }
0x5f: {  	_ =	shalt  }
0x60: {  	_ =	shalt  }
0x61: {  	_ =	shalt  }
0x62: {  	_ =	shalt  }
0x63: {  	_ =	shalt  }
0x64: {  	_ =	shalt  }
0x65: {  	_ =	shalt  }
0x66: {  	_ =	shalt  }
0x67: {  	_ =	shalt  }
0x68: {  	_ =	shalt  }
0x69: {  	_ =	shalt  }
0x6a: {  	_ =	shalt  }
0x6b: {  	_ =	shalt  }
0x6c: {  	_ =	shalt  }
0x6d: {  	_ =	shalt  }
0x6e: {  	_ =	shalt  }
0x6f: {  	_ =	shalt  }
0x70: {  	_ =	shalt  }
0x71: {  	_ =	shalt  }
0x72: {  	_ =	shalt  }
0x73: {  	_ =	shalt  }
0x74: {  	_ =	shalt  }
0x75: {  	_ =	shalt  }
0x76: {  	_ =	shalt  }
0x77: {  	_ =	shalt  }
0x78: {  	_ =	shalt  }
0x79: {  	_ =	shalt  }
0x7a: {  	_ =	shalt  }
0x7b: {  	_ =	shalt  }
0x7c: {  	_ =	shalt  }
0x7d: {  	_ =	shalt  }
0x7e: {  	_ =	shalt  }
0x7f: {  	_ =	shalt  }
0x80: {  	_ =	shalt  }
0x81: {  	_ =	shalt  }
0x82: {  	_ =	shalt  }
0x83: {  	_ =	shalt  }
0x84: {  	_ =	shalt  }
0x85: {  	_ =	shalt  }
0x86: {  	_ =	shalt  }
0x87: {  	_ =	shalt  }
.Lfunc_end0:
.L_simem_size_0:
called_computation_lowered:
.L_overlay_start_0:
0x88: {  	s2 =	sld [smem:$0x3FD9]  }
0x89: {  	s3 =	sld [smem:$0x3FFE];
	_ =	sdelay $0x1  }
0x8a: {  	s1 =	srdreg.scid  }
0x8b: {  	s0 =	sand.u32 $0x1, s1  }
0x8c: {  	s17 =	sshll.u32 s0, $0xA;
	s2 =	sadd.s32 s3, s2  }
0x8d: {  	s2 =	sadd.s32 s2, s17  }
0x8e: {  	[smem:$0x3FC6] =	sst s2  }
0x8f: {  	_ = 	snop  }
0x90: {  	s2 =	sld [smem:$0x3FC8];
	(tm) =	ssettm $0x1  }
0x91: {  	s18 =	sld [smem:$0x3FFB];
	_ =	sdelay $0x3  }
0x92: {  	_ =	strace s18  }
0x93: {  	s3 =	sld [smem:$0x3FFC];
	_ =	sdelay $0x3  }
0x94: {  	_ =	strace s3  }
0x95: {  	s3 =	sld [smem:$0x3FFD];
	_ =	sdelay $0x3  }
0x96: {  	_ =	strace s3  }
0x97: {  	_ =	strace $0x8FFFFFFF  }
0x98: {  	s19 =	sld [smem:$0x3FDB];
	_ =	sdelay $0x1  }
0x99: {  	s4 =	simm.s32 $_scs_section_size  }
0x9a: {  	s5 =	simm.s32 $_size__tile_overlayer_lowered;
	s6 =	simm.s32 $_tile_overlayer_lowered  }
0x9b: {  	s22 =	simm.s32 $0x1BFF;
	s21 =	sshll.u32 s6, $0x1;
	s3 =	sadd.s32 s4, s19  }
0x9c: {  	s7 =	simm.s32 $0x0;
	s20 =	sshll.u32 s5, $0x1;
	s5 =	sadd.s32 s21, s3  }
0x9d: {  	[timem:s7], [sflag:s22] =	dma.local [hbm:s5], s20  }
0x9e: {  	_ =	swait.ge [sflag:s22], s20  }
0x9f: {  	s4 =	ssub.s32 $0x0, s20;
	[sflag:s22] =	ssyncset.done $0x0  }
0xa0: {  	[sflag:s22] =	ssyncadd.s32 s4;
	_ =	sdelay $0x1  }
0xa1: {  	s23 =	simm.s32 $0x1B8B  }
0xa2: {  	_ =	swait.ge [sflag:s23], $0x1  }
0xa3: {  	[sflag:s23] =	ssyncset.done $0x0  }
0xa4: {  	s25 =	simm.s32 $0x1B8E;
	s24 =	sld [smem:$0x3FFE];
	[sflag:s23] =	ssyncadd.s32 $0xFFFFFFFF  }
0xa5: {  	s26 =	simm.s32 $execute0_lowered;
	[smem:$0x3FD2] =	sst s25  }
0xa6: {  	s5 =	sshll.u32 s26, $0x1;
	_ =	strace $0x80000046;
	[dreg:$0x1] =	wrdreg $0xFFFFFFFF  }
0xa7: {  	s28 =	simm.s32 $_size_execute0_lowered;
	s3 =	sadd.s32 s3, s5;
	[dreg:$0x0] =	wrdreg $0x0  }
0xa8: {  	s5 =	sshll.u32 s28, $0x1;
	[dreg:$0x2] =	wrdreg s3  }
0xa9: {  	[dreg:$0x3] =	wrdreg s5  }
0xaa: {  	[dreg:$0x4] =	wrdreg $0xC0  }
0xab: {  	_ =	task [dreg:s7], $0x5FFFF  }
0xac: {  	[dreg:$0x1] =	wrdreg $0xFFFFFFFF  }
0xad: {  	[dreg:$0x0] =	wrdreg $0x60  }
0xae: {  	[dreg:$0x2] =	wrdreg s2  }
0xaf: {  	[dreg:$0x3] =	wrdreg s24  }
0xb0: {  	[dreg:$0x4] =	wrdreg $0xE800  }
0xb1: {  	[dreg:$0x5] =	wrdreg $0xEC00  }
0xb2: {  	[dreg:$0x6] =	wrdreg $0x9  }
0xb3: {  	_ =	task.clear_ibuf [dreg:s7], $0x7FFFF;
	_ =	strace $0x90000046  }
0xb4: {  	s29 =	simm.s32 $0x9;
	_ =	strace $0x80000048  }
0xb5: {  	_ =	swait.ge [sflag:s29], $0x1  }
0xb6: {  	[sflag:s29] =	ssyncadd.s32 $0xFFFFFFFF  }
0xb7: {  	_ =	strace $0x90000048  }
0xb8: {  	_ =	sfence  }
0xb9: {  	s30 =	sld [smem:$0x0];
	_ =	sdelay $0x2  }
0xba: {  	s31 =	sshll.u32 s1, $0xD;
	s1 =	sshrl.u32 s1, $0x2  }
0xbb: {  	s3 =	sand.u32 $0x4000, s31;
	s1 =	sadd.s32 s1, s30  }
0xbc: {  	s0 =	sor.u32 s3, s0;
	s1 =	sshll.u32 s1, $0x11  }
0xbd: {  	s0 =	sor.u32 s1, s0  }
0xbe: {  	s0 =	sadd.s32 $0x8F2B, s0  }
0xbf: {  	[sflag:s0] =	ssyncadd.remote.s32 $0x1  }
0xc0: {  	_ =	sfence.sel $0xFFFF  }
0xc1: {  	[dreg:$0x0] =	wrdreg $0xFFFFFFFF;
	(pc) =	sbr.abs _section_cstart, $3  }
0xc2: {  	[dreg:$0x1] =	wrdreg $0xFFFFFFFF  }
0xc3: {  	_ =	task.clear_ibuf [dreg:s7], $0x2FFFF;
	_ =	strace $0x9FFFFFFF  }
0xc4: {  	(tm) =	ssettm $0x7FFFFFFF  }
0xc5: {  	_ =	shalt  }
tec
execute0_lowered:
.L_overlay_start_1:
0x0: {  	(tag) =	ssettag $0x1  }
0x1: {  	s0 =	rddreg [dreg:$0x0]  }
0x2: {  	s4 =	rddreg [dreg:$0x1]  }
0x3: {  	s1 =	rddreg [dreg:$0x2]  }
0x4: {  	s2 =	rddreg [dreg:$0x3]  }
0x5: {  	s3 =	simm.s32 $0x0;
	s5 =	srdreg.scid;
	s11 =	stileid.u32  }
0x6: {  	s12 =	simm.s32 $0x2;
	s13 =	simm.s32 $0x1;
	s14 =	simm.s32 $0x80  }
0x7: {  	s15 =	simm.s32 $0x400;
	s16 =	simm.s32 $0x100;
	s17 =	simm.s32 $0x180  }
0x8: {  	s18 =	simm.s32 $0x200;
	s19 =	simm.s32 $0x280;
	s20 =	simm.s32 $0x300  }
0x9: {  	s21 =	simm.s32 $0x380;
	s22 =	simm.s32 $0x880;
	s23 =	simm.s32 $0xC80  }
0xa: {  	s24 =	simm.s32 $0xD00;
	s25 =	simm.s32 $0xD80;
	s26 =	simm.s32 $0xE00  }
0xb: {  	s28 =	simm.s32 $0x0;
	[smem:$0x7FF] =	sst s3;
	s5 =	sand.u32 $0x1, s5  }
0xc: {  	s9 =	sshll.u32 s11, $0x7;
	p0 =	sne.s32 s11, $0x0;
	s11 =	simm.s32 $0x480  }
.Ltmp0:
0xd: {  	_ =	strace $0x80000047;
	s6 =	sshll.u32 s5, $0x6;
	(pc) =	sbr.rel .LBB2_1-.Ltmp0, $4  }
0xe: {  	v0 =	vlaneseq.u32;
	s7 =	ssub.s32 $0x2, s5;
	s5 =	sshll.u32 s5, $0x9;
	s8 =	sadd.s32 s6, s4  }
0xf: {  	v2 =	vmul.u32 $0xFFFFFFFF, v0;
	s30 =	sshrl.u32 s7, $0x1;
	s4 =	sadd.s32 s0, s9;
	s6 =	sor.u32 $0x80, s5  }
0x10: {  	s10 =	ssub.s32 s7, s30;
	s7 =	sor.u32 $0x100, s5;
	s31 =	sadd.s32 s9, s8  }
0x11: {  	v1 =	vimm.f32 $0.0e+00;
	v0 =	vimm.f32 $1.000000000e+00;
	v2 =	vadd.s32 $0x3E8, v2;
	s8 =	sor.u32 $0x180, s5;
	s9 =	sadd.s32 $0x800, s31;
	s10 =	smax.u32 s10, $0x1  }
.LBB2_9:
0x12: {  	[bflag:$0x0] =	sbarrier.arrive $0xFFFF  }
0x13: {  	[tilespmem:s15], [sflag:$0x2] =	stream.linear.gather [spmem:s1], $0x10, $0x38;
	[tilespmem:$0xF00] =	vst v63  }
0x14: {  	_ =	swait.ge [sflag:s12], $0x10  }
0x15: {  	[sflag:s12] =	ssyncset.done $0x0  }
0x16: {  	[sflag:s12] =	ssyncadd.s32 $0xFFFFFFF0  }
0x17: {  	v3 =	vld [tilespmem:$0x400];
	[tilespmem:s23], [sflag:$0x1] =	stream.indirect.gather [spmem:s2], $0x1, s5, s14, $0xb8  }
0x18: {  	_ = 	snop  }
0x19: {  	[tilespmem:s24], [sflag:$0x1] =	stream.indirect.gather [spmem:s2], $0x1, s6, s14, $0xb8;
	[tilespmem:$0xF00] =	vst v63  }
0x1a: {  	_ = 	snop  }
0x1b: {  	[tilespmem:s25], [sflag:$0x1] =	stream.indirect.gather [spmem:s2], $0x1, s7, s14, $0xb8;
	[tilespmem:$0xF00] =	vst v63  }
0x1c: {  	_ = 	snop  }
0x1d: {  	[tilespmem:s26], [sflag:$0x1] =	stream.indirect.gather [spmem:s2], $0x1, s8, s14, $0xb8;
	[tilespmem:$0xF00] =	vst v63  }
0x1e: {  	_ =	swait.ge [sflag:s13], $0x80  }
0x1f: {  	[sflag:s13] =	ssyncset.done $0x0  }
0x20: {  	[sflag:s13] =	ssyncadd.s32 $0xFFFFFF80  }
0x21: {  	_ =	swait.ge [sflag:s13], $0x80  }
0x22: {  	[sflag:s13] =	ssyncset.done $0x0  }
0x23: {  	[sflag:s13] =	ssyncadd.s32 $0xFFFFFF80  }
0x24: {  	_ =	swait.ge [sflag:s13], $0x80  }
0x25: {  	[sflag:s13] =	ssyncset.done $0x0  }
0x26: {  	[sflag:s13] =	ssyncadd.s32 $0xFFFFFF80  }
0x27: {  	_ =	swait.ge [sflag:s13], $0x80  }
0x28: {  	[sflag:s13] =	ssyncset.done $0x0  }
0x29: {  	[sflag:s13] =	ssyncadd.s32 $0xFFFFFF80  }
0x2a: {  	v4 =	vld [tilespmem:$0xC80]  }
0x2b: {  	v5 =	vld [tilespmem:$0xC90]  }
0x2c: {  	v6 =	vld [tilespmem:$0xCA0]  }
0x2d: {  	v7 =	vld [tilespmem:$0xCB0]  }
0x2e: {  	v8 =	vld [tilespmem:$0xCC0]  }
0x2f: {  	v9 =	vld [tilespmem:$0xCD0];
	v4 =	vmul.f32 v4, v3  }
0x30: {  	v10 =	vld [tilespmem:$0xCE0];
	v5 =	vmul.f32 v5, v3  }
0x31: {  	v63 =	vld [tilespmem:$0xCF0];
	v62 =	vmul.f32 v6, v3;
	[tilespmem:$0xC80] =	vst v4  }
0x32: {  	v13 =	vld [tilespmem:$0xD00];
	v12 =	vmul.f32 v7, v3;
	[tilespmem:$0xC90] =	vst v5  }
0x33: {  	v15 =	vld [tilespmem:$0xD10];
	v14 =	vmul.f32 v8, v3;
	[tilespmem:$0xCA0] =	vst v62  }
0x34: {  	v17 =	vld [tilespmem:$0xD20];
	v16 =	vmul.f32 v9, v3;
	[tilespmem:$0xCB0] =	vst v12  }
0x35: {  	v19 =	vld [tilespmem:$0xD30];
	v18 =	vmul.f32 v10, v3;
	[tilespmem:$0xCC0] =	vst v14  }
0x36: {  	v21 =	vld [tilespmem:$0xD40];
	v20 =	vmul.f32 v63, v3;
	[tilespmem:$0xCD0] =	vst v16  }
0x37: {  	v23 =	vld [tilespmem:$0xD50];
	v22 =	vmul.f32 v13, v3;
	[tilespmem:$0xCE0] =	vst v18  }
0x38: {  	v25 =	vld [tilespmem:$0xD60];
	v24 =	vmul.f32 v15, v3;
	[tilespmem:$0xCF0] =	vst v20  }
0x39: {  	v27 =	vld [tilespmem:$0xD70];
	v26 =	vmul.f32 v17, v3;
	[tilespmem:$0xD00] =	vst v22  }
0x3a: {  	v29 =	vld [tilespmem:$0xD80];
	v28 =	vmul.f32 v19, v3;
	[tilespmem:$0xD10] =	vst v24  }
0x3b: {  	v31 =	vld [tilespmem:$0xD90];
	v30 =	vmul.f32 v21, v3;
	[tilespmem:$0xD20] =	vst v26  }
0x3c: {  	v33 =	vld [tilespmem:$0xDA0];
	v32 =	vmul.f32 v23, v3;
	[tilespmem:$0xD30] =	vst v28  }
0x3d: {  	v35 =	vld [tilespmem:$0xDB0];
	v34 =	vmul.f32 v25, v3;
	[tilespmem:$0xD40] =	vst v30  }
0x3e: {  	v37 =	vld [tilespmem:$0xDC0];
	v36 =	vmul.f32 v27, v3;
	[tilespmem:$0xD50] =	vst v32  }
0x3f: {  	v39 =	vld [tilespmem:$0xDD0];
	v38 =	vmul.f32 v29, v3;
	[tilespmem:$0xD60] =	vst v34  }
0x40: {  	v41 =	vld [tilespmem:$0xDE0];
	v40 =	vmul.f32 v31, v3;
	[tilespmem:$0xD70] =	vst v36  }
0x41: {  	v43 =	vld [tilespmem:$0xDF0];
	v42 =	vmul.f32 v33, v3;
	[tilespmem:$0xD80] =	vst v38  }
0x42: {  	v45 =	vld [tilespmem:$0xE00];
	v44 =	vmul.f32 v35, v3;
	[tilespmem:$0xD90] =	vst v40  }
0x43: {  	v47 =	vld [tilespmem:$0xE10];
	v46 =	vmul.f32 v37, v3;
	[tilespmem:$0xDA0] =	vst v42  }
0x44: {  	v49 =	vld [tilespmem:$0xE20];
	v48 =	vmul.f32 v39, v3;
	[tilespmem:$0xDB0] =	vst v44  }
0x45: {  	v51 =	vld [tilespmem:$0xE30];
	v50 =	vmul.f32 v41, v3;
	[tilespmem:$0xDC0] =	vst v46  }
0x46: {  	v53 =	vld [tilespmem:$0xE40];
	v52 =	vmul.f32 v43, v3;
	[tilespmem:$0xDD0] =	vst v48  }
0x47: {  	v57 =	vld [tilespmem:$0xE60];
	v54 =	vmul.f32 v45, v3;
	[tilespmem:$0xDE0] =	vst v50  }
0x48: {  	v55 =	vld [tilespmem:$0xE50];
	v56 =	vmul.f32 v47, v3;
	[tilespmem:$0xDF0] =	vst v52  }
0x49: {  	v59 =	vld [tilespmem:$0xE70];
	v58 =	vmul.f32 v49, v3;
	[tilespmem:$0xE00] =	vst v54  }
0x4a: {  	v60 =	vmul.f32 v51, v3;
	[tilespmem:$0xE10] =	vst v56  }
0x4b: {  	v61 =	vmul.f32 v53, v3;
	[tilespmem:$0xE20] =	vst v58  }
0x4c: {  	v63 =	vmul.f32 v57, v3;
	[tilespmem:$0xE30] =	vst v60  }
0x4d: {  	v62 =	vmul.f32 v55, v3;
	[tilespmem:$0xE40] =	vst v61  }
0x4e: {  	s28 =	sadd.s32 $0x1, s28;
	v3 =	vmul.f32 v59, v3;
	[tilespmem:$0xE60] =	vst v63  }
0x4f: {  	p1 =	sne.s32 s28, s10;
	[tilespmem:$0xE50] =	vst v62  }
.Ltmp1:
0x50: {  	[tilespmem:$0xE70] =	vst v3;
	(pc) =	sbr.rel @!p1 .LBB2_10-.Ltmp1, $4  }
0x51: {  	[hbm4b:s9+s3] =	stream.linear.scatter [tilespmem:s23], [sflag:$0x2], $0x200, $0x38;
	[tilespmem:$0xF00] =	vst v63  }
0x52: {  	_ =	swait.ge [sflag:s12], $0x200  }
0x53: {  	[sflag:s12] =	ssyncset.done $0x0  }
0x54: {  	[sflag:s12] =	ssyncadd.s32 $0xFFFFFE00  }
.LBB2_1:
0x55: {  	[tilespmem:s3], [sflag:$0x1] =	stream.linear.gather [hbm4b:s4+s3], $0x400, $0x38;
	[tilespmem:$0xF00] =	vst v63  }
0x56: {  	[tilespmem:$0x400] =	vst v0  }
0x57: {  	[tilespmem:$0x410] =	vst v0  }
0x58: {  	[tilespmem:$0x420] =	vst v0  }
.Ltmp2:
0x59: {  	[tilespmem:$0x430] =	vst v0;
	(pc) =	sbr.rel @p0 .LBB2_5-.Ltmp2, $4  }
0x5a: {  	[tilespmem:$0x440] =	vst v0  }
0x5b: {  	[tilespmem:$0x450] =	vst v0  }
0x5c: {  	[tilespmem:$0x460] =	vst v0  }
0x5d: {  	[tilespmem:$0x470] =	vst v0  }
0x5e: {  	s0 =	simm.s32 $0x40;
	s29 =	simm.s32 $0x0  }
.LBB2_3:
0x5f: {  	p1 =	sne.s32 s0, $0xFC0;
	[tilespmem:s29+$0x480] =	vst v1;
	s29 =	smov.u32 s0;
	s0 =	sadd.s32 $0x40, s0  }
.Ltmp3:
0x60: {  	(pc) =	sbr.rel @p1 .LBB2_3-.Ltmp3, $2  }
0x61: {  	_ =	sdelay $0x2  }
0x62: {  	s29 =	sshra.s32 s29, $0x2  }
0x63: {  	[tilespmem:s29+$0x480] =	vst v1  }
0x64: {  	[spmem:s1] =	stream.linear.scatter [tilespmem:s11], [sflag:$0x2], $0x400, $0x38;
	[tilespmem:$0xF00] =	vst v63  }
0x65: {  	_ =	swait.ge [sflag:s12], $0x400  }
0x66: {  	[sflag:s12] =	ssyncset.done $0x0  }
0x67: {  	[sflag:s12] =	ssyncadd.s32 $0xFFFFFC00  }
.LBB2_5:
0x68: {  	_ =	swait.ge [sflag:s13], $0x400  }
0x69: {  	[sflag:s13] =	ssyncset.done $0x0  }
0x6a: {  	[sflag:s13] =	ssyncadd.s32 $0xFFFFFC00  }
0x6b: {  	[bflag:$0x0] =	sbarrier.arrive $0xFFFF  }
0x6c: {  	[spmem:s1] =	stream.indirect.scatter.add.f32 [tilespmem:s15], [sflag:$0x1], $0x1, s3, s14, $0xb8;
	[tilespmem:$0xF00] =	vst v63  }
0x6d: {  	_ = 	snop  }
0x6e: {  	[spmem:s1] =	stream.indirect.scatter.add.f32 [tilespmem:s15], [sflag:$0x1], $0x1, s14, s14, $0xb8;
	[tilespmem:$0xF00] =	vst v63  }
0x6f: {  	_ = 	snop  }
0x70: {  	[spmem:s1] =	stream.indirect.scatter.add.f32 [tilespmem:s15], [sflag:$0x1], $0x1, s16, s14, $0xb8;
	[tilespmem:$0xF00] =	vst v63  }
0x71: {  	_ = 	snop  }
0x72: {  	[spmem:s1] =	stream.indirect.scatter.add.f32 [tilespmem:s15], [sflag:$0x1], $0x1, s17, s14, $0xb8;
	[tilespmem:$0xF00] =	vst v63  }
0x73: {  	_ = 	snop  }
0x74: {  	[spmem:s1] =	stream.indirect.scatter.add.f32 [tilespmem:s15], [sflag:$0x1], $0x1, s18, s14, $0xb8;
	[tilespmem:$0xF00] =	vst v63  }
0x75: {  	_ = 	snop  }
0x76: {  	[spmem:s1] =	stream.indirect.scatter.add.f32 [tilespmem:s15], [sflag:$0x1], $0x1, s19, s14, $0xb8;
	[tilespmem:$0xF00] =	vst v63  }
0x77: {  	_ = 	snop  }
0x78: {  	[spmem:s1] =	stream.indirect.scatter.add.f32 [tilespmem:s15], [sflag:$0x1], $0x1, s20, s14, $0xb8;
	[tilespmem:$0xF00] =	vst v63  }
0x79: {  	_ = 	snop  }
0x7a: {  	[spmem:s1] =	stream.indirect.scatter.add.f32 [tilespmem:s15], [sflag:$0x1], $0x1, s21, s14, $0xb8;
	[tilespmem:$0xF00] =	vst v63  }
0x7b: {  	_ =	swait.ge [sflag:s13], $0x80  }
0x7c: {  	[sflag:s13] =	ssyncset.done $0x0  }
0x7d: {  	[sflag:s13] =	ssyncadd.s32 $0xFFFFFF80  }
0x7e: {  	_ =	swait.ge [sflag:s13], $0x80  }
0x7f: {  	[sflag:s13] =	ssyncset.done $0x0  }
0x80: {  	[sflag:s13] =	ssyncadd.s32 $0xFFFFFF80  }
0x81: {  	_ =	swait.ge [sflag:s13], $0x80  }
0x82: {  	[sflag:s13] =	ssyncset.done $0x0  }
0x83: {  	[sflag:s13] =	ssyncadd.s32 $0xFFFFFF80  }
0x84: {  	_ =	swait.ge [sflag:s13], $0x80  }
0x85: {  	[sflag:s13] =	ssyncset.done $0x0  }
0x86: {  	[sflag:s13] =	ssyncadd.s32 $0xFFFFFF80  }
0x87: {  	_ =	swait.ge [sflag:s13], $0x80  }
0x88: {  	[sflag:s13] =	ssyncset.done $0x0  }
0x89: {  	[sflag:s13] =	ssyncadd.s32 $0xFFFFFF80  }
0x8a: {  	_ =	swait.ge [sflag:s13], $0x80  }
0x8b: {  	[sflag:s13] =	ssyncset.done $0x0  }
0x8c: {  	[sflag:s13] =	ssyncadd.s32 $0xFFFFFF80  }
0x8d: {  	_ =	swait.ge [sflag:s13], $0x80  }
0x8e: {  	[sflag:s13] =	ssyncset.done $0x0  }
0x8f: {  	[sflag:s13] =	ssyncadd.s32 $0xFFFFFF80  }
.Ltmp4:
0x90: {  	_ =	swait.ge [sflag:s13], $0x80;
	(pc) =	sbr.rel @p0 .LBB2_9-.Ltmp4, $3  }
0x91: {  	[sflag:s13] =	ssyncset.done $0x0  }
0x92: {  	[sflag:s13] =	ssyncadd.s32 $0xFFFFFF80  }
0x93: {  	[bflag:$0x0] =	sbarrier.arrive $0xFFFF;
	_ =	sdelay $0x1  }
0x94: {  	s0 =	simm.s32 $0x480  }
0x95: {  	[tilespmem:s0], [sflag:$0x2] =	stream.linear.gather [spmem:s1], $0x400, $0x38;
	[tilespmem:$0xF00] =	vst v63  }
0x96: {  	_ =	swait.ge [sflag:s12], $0x400  }
0x97: {  	[sflag:s12] =	ssyncset.done $0x0  }
0x98: {  	[sflag:s12] =	ssyncadd.s32 $0xFFFFFC00  }
0x99: {  	v3 =	vld [tilespmem:s0+$0x0];
	_ =	sdelay $0x4  }
0x9a: {  	v3 =	vadd.f32 $9.999999740e-06, v3;
	_ =	sdelay $0x1  }
0x9b: {  	(erf) = vrcp.f32 v3;
	_ =	sdelay $0x4  }
0x9c: {  	s0 =	simm.s32 $0x0  }
0x9d: {  	v3 =	vmov s0;
	_ =	sdelay $0x2  }
0x9e: {  	vm0 =	vlt.u32 v3, v2;
	v3 =	vpop (erf)  }
0x9f: {  	s29 =	simm.s32 $0x880;
	v3 =	vnsel vm0, $0x0, v3  }
0xa0: {  	v4 =	vimm.f32 $0.0e+00;
	s31 =	simm.s32 $0x490;
	[tilespmem:s29+$0x0] =	vst v3  }
0xa1: {  	s30 =	simm.s32 $0x10;
	s0 =	simm.s32 $0x20;
	v3 =	vadd.f32 v3, v4;
	v4 =	vld [tilespmem:s31+$0x0]  }
.LBB2_7:
0xa2: {  	p1 =	sne.s32 s0, $0x3F0;
	_ =	sdelay $0x3  }
0xa3: {  	v4 =	vadd.f32 $9.999999740e-06, v4;
	_ =	sdelay $0x1  }
0xa4: {  	(erf) = vrcp.f32 v4;
	_ =	sdelay $0x7  }
.Ltmp5:
0xa5: {  	v5 =	vmov s30;
	s30 =	smov.u32 s0;
	(pc) =	sbr.rel @p1 .LBB2_7-.Ltmp5, $4  }
0xa6: {  	vm0 =	vlt.u32 v5, v2;
	v4 =	vpop (erf)  }
0xa7: {  	s29 =	sadd.s32 $0x10, s29;
	v4 =	vnsel vm0, $0x0, v4  }
0xa8: {  	s31 =	sadd.s32 $0x10, s31;
	[tilespmem:s29+$0x0] =	vst v4;
	v3 =	vadd.f32 v4, v3  }
0xa9: {  	s0 =	sadd.s32 $0x10, s0;
	v4 =	vld [tilespmem:s31+$0x0]  }
0xaa: {  	_ =	sdelay $0x3  }
0xab: {  	v4 =	vadd.f32 $9.999999740e-06, v4;
	_ =	sdelay $0x1  }
0xac: {  	(erf) = vrcp.f32 v4;
	_ =	sdelay $0x7  }
0xad: {  	v62 =	vmov s30  }
0xae: {  	vm0 =	vlt.u32 v62, v2;
	v63 =	vpop (erf)  }
0xaf: {  	v4 =	vnsel vm0, $0x0, v63  }
0xb0: {  	v3 =	vadd.f32 v4, v3;
	_ =	sdelay $0x1  }
0xb1: {  	(v2sf) =	vpush v3, $0x0  }
0xb2: {  	(v2sf) =	vpush v3, $0x1;
	_ =	sdelay $0x1  }
0xb3: {  	(v2sf) =	vpush v3, $0x2;
	_ =	sdelay $0x1  }
0xb4: {  	(v2sf) =	vpush v3, $0x3;
	_ =	sdelay $0x1  }
0xb5: {  	(v2sf) =	vpush v3, $0x4;
	_ =	sdelay $0x1  }
0xb6: {  	(v2sf) =	vpush v3, $0x5;
	_ =	sdelay $0x1  }
0xb7: {  	(v2sf) =	vpush v3, $0x6;
	_ =	sdelay $0x1  }
0xb8: {  	(v2sf) =	vpush v3, $0x7;
	_ =	sdelay $0x1  }
0xb9: {  	s0 =	spop (v2sf);
	(v2sf) =	vpush v3, $0x8  }
0xba: {  	s31 =	spop (v2sf)  }
0xbb: {  	(v2sf) =	vpush v3, $0x9;
	s0 =	sadd.f32 s31, s0  }
0xbc: {  	s31 =	spop (v2sf)  }
0xbd: {  	(v2sf) =	vpush v3, $0xA;
	s0 =	sadd.f32 s0, s31  }
0xbe: {  	s31 =	spop (v2sf)  }
0xbf: {  	(v2sf) =	vpush v3, $0xB;
	s0 =	sadd.f32 s0, s31  }
0xc0: {  	s31 =	spop (v2sf)  }
0xc1: {  	(v2sf) =	vpush v3, $0xC;
	s0 =	sadd.f32 s0, s31  }
0xc2: {  	s31 =	spop (v2sf)  }
0xc3: {  	(v2sf) =	vpush v3, $0xD;
	s0 =	sadd.f32 s0, s31  }
0xc4: {  	s31 =	spop (v2sf)  }
0xc5: {  	(v2sf) =	vpush v3, $0xE;
	s0 =	sadd.f32 s0, s31  }
0xc6: {  	s31 =	spop (v2sf)  }
0xc7: {  	(v2sf) =	vpush v3, $0xF;
	s0 =	sadd.f32 s0, s31  }
0xc8: {  	s31 =	spop (v2sf)  }
0xc9: {  	s0 =	sadd.f32 s0, s31  }
0xca: {  	s31 =	spop (v2sf)  }
0xcb: {  	s0 =	sadd.f32 s0, s31  }
0xcc: {  	s31 =	spop (v2sf)  }
0xcd: {  	s0 =	sadd.f32 s0, s31  }
0xce: {  	s31 =	spop (v2sf)  }
0xcf: {  	s0 =	sadd.f32 s0, s31  }
0xd0: {  	s31 =	spop (v2sf)  }
0xd1: {  	s0 =	sadd.f32 s0, s31  }
0xd2: {  	s31 =	spop (v2sf)  }
0xd3: {  	s0 =	sadd.f32 s0, s31  }
0xd4: {  	s31 =	spop (v2sf)  }
0xd5: {  	s0 =	sadd.f32 s0, s31  }
0xd6: {  	s31 =	spop (v2sf)  }
0xd7: {  	s0 =	sadd.f32 s0, s31;
	_ =	sdelay $0x1  }
0xd8: {  	v3 =	vmov s0  }
0xd9: {  	(erf) = vrcp.f32 v3;
	_ =	sdelay $0x8  }
0xda: {  	v3 =	vpop (erf)  }
0xdb: {  	s31 =	sadd.s32 $0x10, s29;
	v3 =	vmul.f32 $1.000000000e+03, v3  }
0xdc: {  	[tilespmem:s31+$0x0] =	vst v4  }
0xdd: {  	[tilespmem:$0x400] =	vst v3  }
0xde: {  	[spmem:s2] =	stream.linear.scatter [tilespmem:s22], [sflag:$0x2], $0x400, $0x38;
	[tilespmem:$0xF00] =	vst v63  }
0xdf: {  	_ =	swait.ge [sflag:s12], $0x400  }
0xe0: {  	[sflag:s12] =	ssyncset.done $0x0  }
.Ltmp6:
0xe1: {  	[sflag:s12] =	ssyncadd.s32 $0xFFFFFC00;
	(pc) =	sbr.rel .LBB2_9-.Ltmp6, $4  }
0xe2: {  	[spmem:s1] =	stream.linear.scatter [tilespmem:s15], [sflag:$0x2], $0x10, $0x38;
	[tilespmem:$0xF00] =	vst v63  }
0xe3: {  	_ =	swait.ge [sflag:s12], $0x10  }
0xe4: {  	[sflag:s12] =	ssyncset.done $0x0  }
0xe5: {  	[sflag:s12] =	ssyncadd.s32 $0xFFFFFFF0  }
.LBB2_10:
0xe6: {  	_ =	sfence.sel $0x180000  }
0xe7: {  	[bflag:$0x0] =	sbarrier.arrive $0xFFFF  }
0xe8: {  	_ =	strace $0x90000047  }
0xe9: {  	[bflag:$0x2] =	sbarrier.arrive $0xFFFF  }
0xea: {  	s0 =	rddreg [dreg:$0x4]  }
0xeb: {  	s0 =	sadd.s32 @!p0 $0x100000, s0  }
0xec: {  	[sflag:s0] =	ssyncadd.tile.s32 @!p0 $0x1;
	_ =	shalt  }
.Lfunc_end2:
_tile_overlayer_lowered:
.L_overlay_start_2:
0xed: {  	(tag) =	ssettag $0x2  }
0xee: {  	s0 =	rddreg [dreg:$0x0];
	s2 =	stileid.u32  }
0xef: {  	s1 =	rddreg [dreg:$0x1];
	p0 =	sne.s32 s2, $0x0  }
0xf0: {  	s3 =	rddreg [dreg:$0x2];
	[bflag:$0x3] =	sbarrier.arrive $0xFFFF;
	s2 =	simm.s32 @!p0 $0x1C02  }
0xf1: {  	[timem:s3], [sflag:s2] =	dma.local @!p0 [hbm:s0], s1  }
0xf2: {  	s0 =	simm.s32 @!p0 $0x2  }
0xf3: {  	_ =	swait.ge @!p0 [sflag:s0], s1  }
0xf4: {  	s1 =	ssub.s32 @!p0 $0x0, s1;
	[sflag:s0] =	ssyncset.done @!p0 $0x0  }
0xf5: {  	[sflag:s0] =	ssyncadd.s32 @!p0 s1  }
0xf6: {  	[bflag:$0x3] =	sbarrier.arrive $0xFFFF  }
0xf7: {  	_ =	shalt  }

</sc_bundles>
